<compile_context>
chip_gen: v7x
topology: tpu7x:2x2x1
jax: 0.10.2.dev20260603
libtpu: 0.0.44.dev20260713+nightly
codegen_flags: <defaults>
</compile_context>

<pallas_src>
import functools

import jax
import jax.numpy as jnp
from jax import lax
from jax.experimental import pallas as pl
from jax.experimental.pallas import tpu as pltpu
from jax.experimental.pallas import tpu_sc as plsc

B, N, D, C = 8, 16384, 128, 64
T = B * N
NW = 32
TPW = T // NW
K = 256
ACC_W = 144


def _mlp_exp_body(f_ref, w1_ref, b1_ref, w2_ref, b2_ref, o_ref):
    f = f_ref[...]
    h = jnp.maximum(
        jnp.dot(f, w1_ref[...], preferred_element_type=jnp.float32) + b1_ref[...],
        0.0,
    )
    z = jnp.dot(h, w2_ref[...], preferred_element_type=jnp.float32) + b2_ref[...]
    o_ref[...] = jnp.exp(jax.nn.sigmoid(z))


_mlp_call = pl.pallas_call(
    _mlp_exp_body,
    grid=(T // 1024,),
    in_specs=[
        pl.BlockSpec((1024, D), lambda i: (i, 0)),
        pl.BlockSpec((D, D // 2), lambda i: (0, 0)),
        pl.BlockSpec((1, D // 2), lambda i: (0, 0)),
        pl.BlockSpec((D // 2, 1), lambda i: (0, 0)),
        pl.BlockSpec((1, 1), lambda i: (0, 0)),
    ],
    out_specs=pl.BlockSpec((1024, 1), lambda i: (i, 0)),
    out_shape=jax.ShapeDtypeStruct((T, 1), jnp.float32),
)


def _sc_segsum_body(feat_hbm, e_hbm, cid_hbm, out_hbm, fbuf, ebuf, cbuf, acc):
    wid = lax.axis_index("s") * 2 + lax.axis_index("c")
    base = wid * TPW
    zeros = jnp.zeros((16,), jnp.float32)

    def zrow(r, _):
        acc[pl.ds(r * 16, 16)] = zeros
        return 0

    lax.fori_loop(0, C * ACC_W // 16, zrow, 0)

    iota = lax.iota(jnp.int32, 16)

    def chunk_body(ci, _):
        t0 = base + ci * K
        pltpu.sync_copy(feat_hbm.at[pl.ds(t0, K)], fbuf)
        pltpu.sync_copy(e_hbm.at[pl.ds(t0, K)], ebuf)
        pltpu.sync_copy(cid_hbm.at[pl.ds(t0, K)], cbuf)

        def grp_body(g, _):
            g0 = g * 16
            cvec = cbuf[pl.ds(g0, 16)]
            evec = ebuf[pl.ds(g0, 16)]
            for j in range(16):
                base_c = jnp.full((16,), cvec[j] * ACC_W, jnp.int32) + iota
                ev = jnp.full((16,), evec[j], jnp.float32)
                for d in range(8):
                    fv = fbuf[g0 + j, pl.ds(d * 16, 16)]
                    plsc.addupdate_scatter(acc, [base_c + (d * 16)], fv * ev)
                plsc.addupdate_scatter(acc, [base_c + 128], ev)
            return 0

        lax.fori_loop(0, K // 16, grp_body, 0)
        return 0

    lax.fori_loop(0, TPW // K, chunk_body, 0)
    pltpu.sync_copy(acc, out_hbm.at[wid])


_sc_call = functools.partial(
    pl.kernel,
    out_type=jax.ShapeDtypeStruct((NW, C * ACC_W), jnp.float32),
    mesh=plsc.VectorSubcoreMesh(core_axis_name="c", subcore_axis_name="s"),
    compiler_params=pltpu.CompilerParams(needs_layout_passes=False),
    scratch_types=[
        pltpu.VMEM((K, D), jnp.float32),
        pltpu.VMEM((K,), jnp.float32),
        pltpu.VMEM((K,), jnp.int32),
        pltpu.VMEM((C * ACC_W,), jnp.float32),
    ],
)(_sc_segsum_body)


def _combine_body(p_ref, o_ref):
    s = jnp.sum(p_ref[...], axis=0)
    den = s[:, 128:129]
    num = s[:, :128]
    o_ref[...] = jnp.where(den > 0.0, num / den, 0.0)[None]


_combine_call = pl.pallas_call(
    _combine_body,
    grid=(B,),
    in_specs=[pl.BlockSpec((NW // B, C, ACC_W), lambda b: (b, 0, 0))],
    out_specs=pl.BlockSpec((1, C, D), lambda b: (b, 0, 0)),
    out_shape=jax.ShapeDtypeStruct((B, C, D), jnp.float32),
)


def kernel(features, cluster_assignments, num_clusters, W1, b1, W2, b2):
    f_flat = features.reshape(T, D)
    cid_flat = cluster_assignments.reshape(T).astype(jnp.int32)
    e = _mlp_call(f_flat, W1, b1.reshape(1, D // 2), W2, b2.reshape(1, 1))
    p = _sc_call(f_flat, e.reshape(T), cid_flat)
    return _combine_call(p.reshape(NW, C, ACC_W))

# --- scband reference (transcript-rebuilt; emitter-appended) ---
"""Pipeline reference for scband-cluster-aggregator-54039278518791 (READ-ONLY COPY).

The authoritative reference and input builder live on the scoring server;
editing this copy changes nothing except your own understanding.
"""

import jax, jax.numpy as jnp
import numpy as np


def setup_inputs(seed: int = 0) -> dict:
    key = jax.random.key(seed)
    k1, k2, k3, k4 = jax.random.split(key, 4)
    B, N, D, C = 8, 16384, 128, 64
    features = jax.random.normal(k1, (B, N, D), dtype=jnp.float32)
    cluster_assignments = jax.random.randint(k2, (B, N), 0, C, dtype=jnp.int32)
    # importance_net params: Linear(D, D//2) -> ReLU -> Linear(D//2, 1) -> Sigmoid
    W1 = jax.random.normal(k3, (D, D // 2), dtype=jnp.float32) * 0.05
    b1 = jnp.zeros((D // 2,), dtype=jnp.float32)
    W2 = jax.random.normal(k4, (D // 2, 1), dtype=jnp.float32) * 0.05
    b2 = jnp.zeros((1,), dtype=jnp.float32)
    return {
        "features": features,
        "cluster_assignments": cluster_assignments,
        "num_clusters": C,
        "W1": W1,
        "b1": b1,
        "W2": W2,
        "b2": b2,
    }


def reference(features, cluster_assignments, num_clusters, W1, b1, W2, b2):
    B, N, D = features.shape
    C_static = 64
    # importance = Sigmoid(Linear(ReLU(Linear(features))))  -> [B, N, 1]
    h = jax.nn.relu(features @ W1 + b1)
    imp = jax.nn.sigmoid(h @ W2 + b2)[..., 0]  # [B, N]
    # flatten batch into segment ids: segment = b * num_clusters + cluster
    seg = (cluster_assignments.astype(jnp.int32)
           + jnp.arange(B, dtype=jnp.int32)[:, None]
           * jnp.asarray(num_clusters, dtype=jnp.int32)).reshape(-1)
    imp_f = imp.reshape(-1)
    feat_f = features.reshape(-1, D)
    nseg = B * C_static
    # per-(batch, cluster) softmax over importance (numerically stable)
    seg_max = jax.ops.segment_max(imp_f, seg, num_segments=nseg)
    seg_max = jnp.where(jnp.isfinite(seg_max), seg_max, 0.0)
    e = jnp.exp(imp_f - seg_max[seg])
    denom = jax.ops.segment_sum(e, seg, num_segments=nseg)
    w = e / denom[seg]
    # weighted sum of features per cluster; empty clusters stay zero
    out = jax.ops.segment_sum(feat_f * w[:, None], seg, num_segments=nseg)
    return out.reshape(B, C_static, D)

if __name__ == "__main__":
    import jax
    _d = setup_inputs()
    print(jax.jit(kernel)(*tuple(_d.values())))

</pallas_src>

<mosaic_0001>
#map = affine_map<(d0, d1) -> (0, 0)>
#map1 = affine_map<(d0, d1) -> (0)>
module attributes {stable_mosaic.version = 14 : i64} {
  func.func @_sc_segsum_body(%arg0: i32, %arg1: i32, %arg2: memref<131072x128xf32, #tpu.memory_space<hbm>>, %arg3: memref<131072xf32, #tpu.memory_space<hbm>>, %arg4: memref<131072xi32, #tpu.memory_space<hbm>>, %arg5: memref<32x9216xf32, #tpu.memory_space<hbm>>, %arg6: memref<256x128xf32, #tpu.memory_space<vmem>>, %arg7: memref<256xf32, #tpu.memory_space<vmem>>, %arg8: memref<256xi32, #tpu.memory_space<vmem>>, %arg9: memref<9216xf32, #tpu.memory_space<vmem>>) attributes {dimension_semantics = [#tpu.dimension_semantics<core_parallel>, #tpu.dimension_semantics<subcore_parallel>], iteration_bounds = array<i64: 2, 16>, scalar_prefetch = 0 : i64, scratch_operands = 4 : i64, tpu.core_type = #tpu.core_type<sc_vector_subcore>, window_params = [{transform_indices = #map}, {transform_indices = #map1}, {transform_indices = #map1}, {transform_indices = #map}]} {
    %mul3A = arith.constant 2 : i32
    %mul3A_0 = arith.muli %arg1, %mul3A : i32
    %add3A = arith.addi %mul3A_0, %arg0 : i32
    %mul3A_1 = arith.constant 4096 : i32
    %mul3A_2 = arith.muli %add3A, %mul3A_1 : i32
    %broadcast_in_dim3A = arith.constant 0.000000e+00 : f32
    %broadcast_in_dim3A_3 = vector.broadcast %broadcast_in_dim3A : f32 to vector<16xf32>
    %scan3A = arith.constant 0 : i32
    %scan3A_4 = arith.constant 0 : i32
    %scan3A_5 = arith.constant 576 : i32
    %scan3A_6 = arith.addi %scan3A_4, %scan3A_5 : i32
    %scan3A_7 = arith.constant 1 : i32
    %scan3A_8 = scf.for %scan3A_17 = %scan3A_4 to %scan3A_6 step %scan3A_7 iter_args(%scan3A_18 = %scan3A) -> (i32)  : i32 {
      %mul3A_19 = arith.constant 16 : i32
      %mul3A_20 = arith.muli %scan3A_17, %mul3A_19 : i32
      %swap3A = arith.index_cast %mul3A_20 : i32 to index
      %swap3A_21 = tpu.vector_load %arg9[%swap3A] {strides = array<i32>} : memref<9216xf32, #tpu.memory_space<vmem>>, vector<16xf32>,
      tpu.vector_store %arg9[%swap3A], %broadcast_in_dim3A_3 {strides = array<i32>} : memref<9216xf32, #tpu.memory_space<vmem>>, vector<16xf32>,
      %scan3A_22 = arith.constant 0 : i32
      scf.yield %scan3A_22 : i32
    }
    %scan3A_9 = arith.constant 576 : i32
    %iota3A = tpu.iota {dimensions = array<i32: 0>} : vector<16xi32>
    %scan3A_10 = arith.constant 0 : i32
    %scan3A_11 = arith.constant 0 : i32
    %scan3A_12 = arith.constant 16 : i32
    %scan3A_13 = arith.addi %scan3A_11, %scan3A_12 : i32
    %scan3A_14 = arith.constant 1 : i32
    %scan3A_15 = scf.for %scan3A_17 = %scan3A_11 to %scan3A_13 step %scan3A_14 iter_args(%scan3A_18 = %scan3A_10) -> (i32)  : i32 {
      %mul3A_19 = arith.constant 256 : i32
      %mul3A_20 = arith.muli %scan3A_17, %mul3A_19 : i32
      %add3A_21 = arith.addi %mul3A_2, %mul3A_20 : i32
      "tpu.region"() ({
        %run_scoped3A = tpu.sem_alloc : memref<!tpu.dma_semaphore, #tpu.memory_space<semaphore_mem>>
        %dma_start3A = arith.constant 0 : i32
        %dma_start3A_30 = tpu.memref_slice %arg2[%add3A_21, %dma_start3A] : memref<131072x128xf32, #tpu.memory_space<hbm>> -> memref<256x128xf32, #tpu.memory_space<hbm>>
        %dma_start3A_31 = arith.constant 0 : i32
        %dma_start3A_32 = tpu.memref_slice %arg2[%add3A_21, %dma_start3A_31] : memref<131072x128xf32, #tpu.memory_space<hbm>> -> memref<256x128xf32, #tpu.memory_space<hbm>>
        tpu.enqueue_dma source(%dma_start3A_32 : memref<256x128xf32, #tpu.memory_space<hbm>>) target(%arg6 : memref<256x128xf32, #tpu.memory_space<vmem>>) target_semaphore(%run_scoped3A : memref<!tpu.dma_semaphore, #tpu.memory_space<semaphore_mem>>)
        %dma_wait3A = arith.constant 0 : i32
        %dma_wait3A_33 = tpu.memref_slice %arg2[%add3A_21, %dma_wait3A] : memref<131072x128xf32, #tpu.memory_space<hbm>> -> memref<256x128xf32, #tpu.memory_space<hbm>>
        %dma_wait3A_34 = arith.constant 0 : i32
        %dma_wait3A_35 = tpu.memref_slice %arg2[%add3A_21, %dma_wait3A_34] : memref<131072x128xf32, #tpu.memory_space<hbm>> -> memref<256x128xf32, #tpu.memory_space<hbm>>
        tpu.wait_dma2 semaphore(%run_scoped3A : memref<!tpu.dma_semaphore, #tpu.memory_space<semaphore_mem>>) src(%dma_wait3A_35 : memref<256x128xf32, #tpu.memory_space<hbm>>) dst(%arg6 : memref<256x128xf32, #tpu.memory_space<vmem>>)
        tpu.yield
      }) : () -> ()
      "tpu.region"() ({
        %run_scoped3A = tpu.sem_alloc : memref<!tpu.dma_semaphore, #tpu.memory_space<semaphore_mem>>
        %dma_start3A = tpu.memref_slice %arg3[%add3A_21] : memref<131072xf32, #tpu.memory_space<hbm>> -> memref<256xf32, #tpu.memory_space<hbm>>
        %dma_start3A_30 = tpu.memref_slice %arg3[%add3A_21] : memref<131072xf32, #tpu.memory_space<hbm>> -> memref<256xf32, #tpu.memory_space<hbm>>
        tpu.enqueue_dma source(%dma_start3A_30 : memref<256xf32, #tpu.memory_space<hbm>>) target(%arg7 : memref<256xf32, #tpu.memory_space<vmem>>) target_semaphore(%run_scoped3A : memref<!tpu.dma_semaphore, #tpu.memory_space<semaphore_mem>>)
        %dma_wait3A = tpu.memref_slice %arg3[%add3A_21] : memref<131072xf32, #tpu.memory_space<hbm>> -> memref<256xf32, #tpu.memory_space<hbm>>
        %dma_wait3A_31 = tpu.memref_slice %arg3[%add3A_21] : memref<131072xf32, #tpu.memory_space<hbm>> -> memref<256xf32, #tpu.memory_space<hbm>>
        tpu.wait_dma2 semaphore(%run_scoped3A : memref<!tpu.dma_semaphore, #tpu.memory_space<semaphore_mem>>) src(%dma_wait3A_31 : memref<256xf32, #tpu.memory_space<hbm>>) dst(%arg7 : memref<256xf32, #tpu.memory_space<vmem>>)
        tpu.yield
      }) : () -> ()
      "tpu.region"() ({
        %run_scoped3A = tpu.sem_alloc : memref<!tpu.dma_semaphore, #tpu.memory_space<semaphore_mem>>
        %dma_start3A = tpu.memref_slice %arg4[%add3A_21] : memref<131072xi32, #tpu.memory_space<hbm>> -> memref<256xi32, #tpu.memory_space<hbm>>
        %dma_start3A_30 = tpu.memref_slice %arg4[%add3A_21] : memref<131072xi32, #tpu.memory_space<hbm>> -> memref<256xi32, #tpu.memory_space<hbm>>
        tpu.enqueue_dma source(%dma_start3A_30 : memref<256xi32, #tpu.memory_space<hbm>>) target(%arg8 : memref<256xi32, #tpu.memory_space<vmem>>) target_semaphore(%run_scoped3A : memref<!tpu.dma_semaphore, #tpu.memory_space<semaphore_mem>>)
        %dma_wait3A = tpu.memref_slice %arg4[%add3A_21] : memref<131072xi32, #tpu.memory_space<hbm>> -> memref<256xi32, #tpu.memory_space<hbm>>
        %dma_wait3A_31 = tpu.memref_slice %arg4[%add3A_21] : memref<131072xi32, #tpu.memory_space<hbm>> -> memref<256xi32, #tpu.memory_space<hbm>>
        tpu.wait_dma2 semaphore(%run_scoped3A : memref<!tpu.dma_semaphore, #tpu.memory_space<semaphore_mem>>) src(%dma_wait3A_31 : memref<256xi32, #tpu.memory_space<hbm>>) dst(%arg8 : memref<256xi32, #tpu.memory_space<vmem>>)
        tpu.yield
      }) : () -> ()
      %scan3A_22 = arith.constant 0 : i32
      %scan3A_23 = arith.constant 0 : i32
      %scan3A_24 = arith.constant 16 : i32
      %scan3A_25 = arith.addi %scan3A_23, %scan3A_24 : i32
      %scan3A_26 = arith.constant 1 : i32
      %scan3A_27 = scf.for %scan3A_30 = %scan3A_23 to %scan3A_25 step %scan3A_26 iter_args(%scan3A_31 = %scan3A_22) -> (i32)  : i32 {
        %mul3A_32 = arith.constant 16 : i32
        %mul3A_33 = arith.muli %scan3A_30, %mul3A_32 : i32
        %get3A = arith.index_cast %mul3A_33 : i32 to index
        %get3A_34 = tpu.vector_load %arg8[%get3A] {strides = array<i32>} : memref<256xi32, #tpu.memory_space<vmem>>, vector<16xi32>,
        %get3A_35 = arith.index_cast %mul3A_33 : i32 to index
        %get3A_36 = tpu.vector_load %arg7[%get3A_35] {strides = array<i32>} : memref<256xf32, #tpu.memory_space<vmem>>, vector<16xf32>,
        %slice3A = vector.extract_strided_slice %get3A_34 {offsets = [0], sizes = [1], strides = [1]} : vector<16xi32> to vector<1xi32>
        %squeeze3A = vector.extract %slice3A[0] : i32 from vector<1xi32>
        %mul3A_37 = arith.constant 144 : i32
        %mul3A_38 = arith.muli %squeeze3A, %mul3A_37 : i32
        %broadcast_in_dim3A_39 = vector.broadcast %mul3A_38 : i32 to vector<16xi32>
        %add3A_40 = arith.addi %broadcast_in_dim3A_39, %iota3A : vector<16xi32>
        %slice3A_41 = vector.extract_strided_slice %get3A_36 {offsets = [0], sizes = [1], strides = [1]} : vector<16xf32> to vector<1xf32>
        %squeeze3A_42 = vector.extract %slice3A_41[0] : f32 from vector<1xf32>
        %broadcast_in_dim3A_43 = vector.broadcast %squeeze3A_42 : f32 to vector<16xf32>
        %add3A_44 = arith.constant 0 : i32
        %add3A_45 = arith.addi %mul3A_33, %add3A_44 : i32
        %get3A_46 = arith.index_cast %add3A_45 : i32 to index
        %get3A_47 = arith.constant 0 : index
        %get3A_48 = tpu.vector_load %arg6[%get3A_46, %get3A_47] {strides = array<i32>} : memref<256x128xf32, #tpu.memory_space<vmem>>, vector<16xf32>,
        %add3A_49 = arith.constant 0 : i32
        %add3A_50 = vector.broadcast %add3A_49 : i32 to vector<16xi32>
        %add3A_51 = arith.addi %add3A_40, %add3A_50 : vector<16xi32>
        %mul3A_52 = arith.mulf %get3A_48, %broadcast_in_dim3A_43 : vector<16xf32>
        tpu.vector_store_idx %arg9[%add3A_51], %mul3A_52 {add = true} : memref<9216xf32, #tpu.memory_space<vmem>>[vector<16xi32>], vector<16xf32>,
        %add3A_53 = arith.constant 0 : i32
        %add3A_54 = arith.addi %mul3A_33, %add3A_53 : i32
        %get3A_55 = arith.index_cast %add3A_54 : i32 to index
        %get3A_56 = arith.constant 16 : index
        %get3A_57 = tpu.vector_load %arg6[%get3A_55, %get3A_56] {strides = array<i32>} : memref<256x128xf32, #tpu.memory_space<vmem>>, vector<16xf32>,
        %add3A_58 = arith.constant 16 : i32
        %add3A_59 = vector.broadcast %add3A_58 : i32 to vector<16xi32>
        %add3A_60 = arith.addi %add3A_40, %add3A_59 : vector<16xi32>
        %mul3A_61 = arith.mulf %get3A_57, %broadcast_in_dim3A_43 : vector<16xf32>
        tpu.vector_store_idx %arg9[%add3A_60], %mul3A_61 {add = true} : memref<9216xf32, #tpu.memory_space<vmem>>[vector<16xi32>], vector<16xf32>,
        %add3A_62 = arith.constant 0 : i32
        %add3A_63 = arith.addi %mul3A_33, %add3A_62 : i32
        %get3A_64 = arith.index_cast %add3A_63 : i32 to index
        %get3A_65 = arith.constant 32 : index
        %get3A_66 = tpu.vector_load %arg6[%get3A_64, %get3A_65] {strides = array<i32>} : memref<256x128xf32, #tpu.memory_space<vmem>>, vector<16xf32>,
        %add3A_67 = arith.constant 32 : i32
        %add3A_68 = vector.broadcast %add3A_67 : i32 to vector<16xi32>
        %add3A_69 = arith.addi %add3A_40, %add3A_68 : vector<16xi32>
        %mul3A_70 = arith.mulf %get3A_66, %broadcast_in_dim3A_43 : vector<16xf32>
        tpu.vector_store_idx %arg9[%add3A_69], %mul3A_70 {add = true} : memref<9216xf32, #tpu.memory_space<vmem>>[vector<16xi32>], vector<16xf32>,
        %add3A_71 = arith.constant 0 : i32
        %add3A_72 = arith.addi %mul3A_33, %add3A_71 : i32
        %get3A_73 = arith.index_cast %add3A_72 : i32 to index
        %get3A_74 = arith.constant 48 : index
        %get3A_75 = tpu.vector_load %arg6[%get3A_73, %get3A_74] {strides = array<i32>} : memref<256x128xf32, #tpu.memory_space<vmem>>, vector<16xf32>,
        %add3A_76 = arith.constant 48 : i32
        %add3A_77 = vector.broadcast %add3A_76 : i32 to vector<16xi32>
        %add3A_78 = arith.addi %add3A_40, %add3A_77 : vector<16xi32>
        %mul3A_79 = arith.mulf %get3A_75, %broadcast_in_dim3A_43 : vector<16xf32>
        tpu.vector_store_idx %arg9[%add3A_78], %mul3A_79 {add = true} : memref<9216xf32, #tpu.memory_space<vmem>>[vector<16xi32>], vector<16xf32>,
        %add3A_80 = arith.constant 0 : i32
        %add3A_81 = arith.addi %mul3A_33, %add3A_80 : i32
        %get3A_82 = arith.index_cast %add3A_81 : i32 to index
        %get3A_83 = arith.constant 64 : index
        %get3A_84 = tpu.vector_load %arg6[%get3A_82, %get3A_83] {strides = array<i32>} : memref<256x128xf32, #tpu.memory_space<vmem>>, vector<16xf32>,
        %add3A_85 = arith.constant 64 : i32
        %add3A_86 = vector.broadcast %add3A_85 : i32 to vector<16xi32>
        %add3A_87 = arith.addi %add3A_40, %add3A_86 : vector<16xi32>
        %mul3A_88 = arith.mulf %get3A_84, %broadcast_in_dim3A_43 : vector<16xf32>
        tpu.vector_store_idx %arg9[%add3A_87], %mul3A_88 {add = true} : memref<9216xf32, #tpu.memory_space<vmem>>[vector<16xi32>], vector<16xf32>,
        %add3A_89 = arith.constant 0 : i32
        %add3A_90 = arith.addi %mul3A_33, %add3A_89 : i32
        %get3A_91 = arith.index_cast %add3A_90 : i32 to index
        %get3A_92 = arith.constant 80 : index
        %get3A_93 = tpu.vector_load %arg6[%get3A_91, %get3A_92] {strides = array<i32>} : memref<256x128xf32, #tpu.memory_space<vmem>>, vector<16xf32>,
        %add3A_94 = arith.constant 80 : i32
        %add3A_95 = vector.broadcast %add3A_94 : i32 to vector<16xi32>
        %add3A_96 = arith.addi %add3A_40, %add3A_95 : vector<16xi32>
        %mul3A_97 = arith.mulf %get3A_93, %broadcast_in_dim3A_43 : vector<16xf32>
        tpu.vector_store_idx %arg9[%add3A_96], %mul3A_97 {add = true} : memref<9216xf32, #tpu.memory_space<vmem>>[vector<16xi32>], vector<16xf32>,
        %add3A_98 = arith.constant 0 : i32
        %add3A_99 = arith.addi %mul3A_33, %add3A_98 : i32
        %get3A_100 = arith.index_cast %add3A_99 : i32 to index
        %get3A_101 = arith.constant 96 : index
        %get3A_102 = tpu.vector_load %arg6[%get3A_100, %get3A_101] {strides = array<i32>} : memref<256x128xf32, #tpu.memory_space<vmem>>, vector<16xf32>,
        %add3A_103 = arith.constant 96 : i32
        %add3A_104 = vector.broadcast %add3A_103 : i32 to vector<16xi32>
        %add3A_105 = arith.addi %add3A_40, %add3A_104 : vector<16xi32>
        %mul3A_106 = arith.mulf %get3A_102, %broadcast_in_dim3A_43 : vector<16xf32>
        tpu.vector_store_idx %arg9[%add3A_105], %mul3A_106 {add = true} : memref<9216xf32, #tpu.memory_space<vmem>>[vector<16xi32>], vector<16xf32>,
        %add3A_107 = arith.constant 0 : i32
        %add3A_108 = arith.addi %mul3A_33, %add3A_107 : i32
        %get3A_109 = arith.index_cast %add3A_108 : i32 to index
        %get3A_110 = arith.constant 112 : index
        %get3A_111 = tpu.vector_load %arg6[%get3A_109, %get3A_110] {strides = array<i32>} : memref<256x128xf32, #tpu.memory_space<vmem>>, vector<16xf32>,
        %add3A_112 = arith.constant 112 : i32
        %add3A_113 = vector.broadcast %add3A_112 : i32 to vector<16xi32>
        %add3A_114 = arith.addi %add3A_40, %add3A_113 : vector<16xi32>
        %mul3A_115 = arith.mulf %get3A_111, %broadcast_in_dim3A_43 : vector<16xf32>
        tpu.vector_store_idx %arg9[%add3A_114], %mul3A_115 {add = true} : memref<9216xf32, #tpu.memory_space<vmem>>[vector<16xi32>], vector<16xf32>,
        %add3A_116 = arith.constant 128 : i32
        %add3A_117 = vector.broadcast %add3A_116 : i32 to vector<16xi32>
        %add3A_118 = arith.addi %add3A_40, %add3A_117 : vector<16xi32>
        tpu.vector_store_idx %arg9[%add3A_118], %broadcast_in_dim3A_43 {add = true} : memref<9216xf32, #tpu.memory_space<vmem>>[vector<16xi32>], vector<16xf32>,
        %slice3A_119 = vector.extract_strided_slice %get3A_34 {offsets = [1], sizes = [1], strides = [1]} : vector<16xi32> to vector<1xi32>
        %squeeze3A_120 = vector.extract %slice3A_119[0] : i32 from vector<1xi32>
        %mul3A_121 = arith.constant 144 : i32
        %mul3A_122 = arith.muli %squeeze3A_120, %mul3A_121 : i32
        %broadcast_in_dim3A_123 = vector.broadcast %mul3A_122 : i32 to vector<16xi32>
        %add3A_124 = arith.addi %broadcast_in_dim3A_123, %iota3A : vector<16xi32>
        %slice3A_125 = vector.extract_strided_slice %get3A_36 {offsets = [1], sizes = [1], strides = [1]} : vector<16xf32> to vector<1xf32>
        %squeeze3A_126 = vector.extract %slice3A_125[0] : f32 from vector<1xf32>
        %broadcast_in_dim3A_127 = vector.broadcast %squeeze3A_126 : f32 to vector<16xf32>
        %add3A_128 = arith.constant 1 : i32
        %add3A_129 = arith.addi %mul3A_33, %add3A_128 : i32
        %get3A_130 = arith.index_cast %add3A_129 : i32 to index
        %get3A_131 = arith.constant 0 : index
        %get3A_132 = tpu.vector_load %arg6[%get3A_130, %get3A_131] {strides = array<i32>} : memref<256x128xf32, #tpu.memory_space<vmem>>, vector<16xf32>,
        %add3A_133 = arith.constant 0 : i32
        %add3A_134 = vector.broadcast %add3A_133 : i32 to vector<16xi32>
        %add3A_135 = arith.addi %add3A_124, %add3A_134 : vector<16xi32>
        %mul3A_136 = arith.mulf %get3A_132, %broadcast_in_dim3A_127 : vector<16xf32>
        tpu.vector_store_idx %arg9[%add3A_135], %mul3A_136 {add = true} : memref<9216xf32, #tpu.memory_space<vmem>>[vector<16xi32>], vector<16xf32>,
        %add3A_137 = arith.constant 1 : i32
        %add3A_138 = arith.addi %mul3A_33, %add3A_137 : i32
        %get3A_139 = arith.index_cast %add3A_138 : i32 to index
        %get3A_140 = arith.constant 16 : index
        %get3A_141 = tpu.vector_load %arg6[%get3A_139, %get3A_140] {strides = array<i32>} : memref<256x128xf32, #tpu.memory_space<vmem>>, vector<16xf32>,
        %add3A_142 = arith.constant 16 : i32
        %add3A_143 = vector.broadcast %add3A_142 : i32 to vector<16xi32>
        %add3A_144 = arith.addi %add3A_124, %add3A_143 : vector<16xi32>
        %mul3A_145 = arith.mulf %get3A_141, %broadcast_in_dim3A_127 : vector<16xf32>
        tpu.vector_store_idx %arg9[%add3A_144], %mul3A_145 {add = true} : memref<9216xf32, #tpu.memory_space<vmem>>[vector<16xi32>], vector<16xf32>,
        %add3A_146 = arith.constant 1 : i32
        %add3A_147 = arith.addi %mul3A_33, %add3A_146 : i32
        %get3A_148 = arith.index_cast %add3A_147 : i32 to index
        %get3A_149 = arith.constant 32 : index
        %get3A_150 = tpu.vector_load %arg6[%get3A_148, %get3A_149] {strides = array<i32>} : memref<256x128xf32, #tpu.memory_space<vmem>>, vector<16xf32>,
        %add3A_151 = arith.constant 32 : i32
        %add3A_152 = vector.broadcast %add3A_151 : i32 to vector<16xi32>
        %add3A_153 = arith.addi %add3A_124, %add3A_152 : vector<16xi32>
        %mul3A_154 = arith.mulf %get3A_150, %broadcast_in_dim3A_127 : vector<16xf32>
        tpu.vector_store_idx %arg9[%add3A_153], %mul3A_154 {add = true} : memref<9216xf32, #tpu.memory_space<vmem>>[vector<16xi32>], vector<16xf32>,
        %add3A_155 = arith.constant 1 : i32
        %add3A_156 = arith.addi %mul3A_33, %add3A_155 : i32
        %get3A_157 = arith.index_cast %add3A_156 : i32 to index
        %get3A_158 = arith.constant 48 : index
        %get3A_159 = tpu.vector_load %arg6[%get3A_157, %get3A_158] {strides = array<i32>} : memref<256x128xf32, #tpu.memory_space<vmem>>, vector<16xf32>,
        %add3A_160 = arith.constant 48 : i32
        %add3A_161 = vector.broadcast %add3A_160 : i32 to vector<16xi32>
        %add3A_162 = arith.addi %add3A_124, %add3A_161 : vector<16xi32>
        %mul3A_163 = arith.mulf %get3A_159, %broadcast_in_dim3A_127 : vector<16xf32>
        tpu.vector_store_idx %arg9[%add3A_162], %mul3A_163 {add = true} : memref<9216xf32, #tpu.memory_space<vmem>>[vector<16xi32>], vector<16xf32>,
        %add3A_164 = arith.constant 1 : i32
        %add3A_165 = arith.addi %mul3A_33, %add3A_164 : i32
        %get3A_166 = arith.index_cast %add3A_165 : i32 to index
        %get3A_167 = arith.constant 64 : index
        %get3A_168 = tpu.vector_load %arg6[%get3A_166, %get3A_167] {strides = array<i32>} : memref<256x128xf32, #tpu.memory_space<vmem>>, vector<16xf32>,
        %add3A_169 = arith.constant 64 : i32
        %add3A_170 = vector.broadcast %add3A_169 : i32 to vector<16xi32>
        %add3A_171 = arith.addi %add3A_124, %add3A_170 : vector<16xi32>
        %mul3A_172 = arith.mulf %get3A_168, %broadcast_in_dim3A_127 : vector<16xf32>
        tpu.vector_store_idx %arg9[%add3A_171], %mul3A_172 {add = true} : memref<9216xf32, #tpu.memory_space<vmem>>[vector<16xi32>], vector<16xf32>,
        %add3A_173 = arith.constant 1 : i32
        %add3A_174 = arith.addi %mul3A_33, %add3A_173 : i32
        %get3A_175 = arith.index_cast %add3A_174 : i32 to index
        %get3A_176 = arith.constant 80 : index
        %get3A_177 = tpu.vector_load %arg6[%get3A_175, %get3A_176] {strides = array<i32>} : memref<256x128xf32, #tpu.memory_space<vmem>>, vector<16xf32>,
        %add3A_178 = arith.constant 80 : i32
        %add3A_179 = vector.broadcast %add3A_178 : i32 to vector<16xi32>
        %add3A_180 = arith.addi %add3A_124, %add3A_179 : vector<16xi32>
        %mul3A_181 = arith.mulf %get3A_177, %broadcast_in_dim3A_127 : vector<16xf32>
        tpu.vector_store_idx %arg9[%add3A_180], %mul3A_181 {add = true} : memref<9216xf32, #tpu.memory_space<vmem>>[vector<16xi32>], vector<16xf32>,
        %add3A_182 = arith.constant 1 : i32
        %add3A_183 = arith.addi %mul3A_33, %add3A_182 : i32
        %get3A_184 = arith.index_cast %add3A_183 : i32 to index
        %get3A_185 = arith.constant 96 : index
        %get3A_186 = tpu.vector_load %arg6[%get3A_184, %get3A_185] {strides = array<i32>} : memref<256x128xf32, #tpu.memory_space<vmem>>, vector<16xf32>,
        %add3A_187 = arith.constant 96 : i32
        %add3A_188 = vector.broadcast %add3A_187 : i32 to vector<16xi32>
        %add3A_189 = arith.addi %add3A_124, %add3A_188 : vector<16xi32>
        %mul3A_190 = arith.mulf %get3A_186, %broadcast_in_dim3A_127 : vector<16xf32>
        tpu.vector_store_idx %arg9[%add3A_189], %mul3A_190 {add = true} : memref<9216xf32, #tpu.memory_space<vmem>>[vector<16xi32>], vector<16xf32>,
        %add3A_191 = arith.constant 1 : i32
        %add3A_192 = arith.addi %mul3A_33, %add3A_191 : i32
        %get3A_193 = arith.index_cast %add3A_192 : i32 to index
        %get3A_194 = arith.constant 112 : index
        %get3A_195 = tpu.vector_load %arg6[%get3A_193, %get3A_194] {strides = array<i32>} : memref<256x128xf32, #tpu.memory_space<vmem>>, vector<16xf32>,
        %add3A_196 = arith.constant 112 : i32
        %add3A_197 = vector.broadcast %add3A_196 : i32 to vector<16xi32>
        %add3A_198 = arith.addi %add3A_124, %add3A_197 : vector<16xi32>
        %mul3A_199 = arith.mulf %get3A_195, %broadcast_in_dim3A_127 : vector<16xf32>
        tpu.vector_store_idx %arg9[%add3A_198], %mul3A_199 {add = true} : memref<9216xf32, #tpu.memory_space<vmem>>[vector<16xi32>], vector<16xf32>,
        %add3A_200 = arith.constant 128 : i32
        %add3A_201 = vector.broadcast %add3A_200 : i32 to vector<16xi32>
        %add3A_202 = arith.addi %add3A_124, %add3A_201 : vector<16xi32>
        tpu.vector_store_idx %arg9[%add3A_202], %broadcast_in_dim3A_127 {add = true} : memref<9216xf32, #tpu.memory_space<vmem>>[vector<16xi32>], vector<16xf32>,
        %slice3A_203 = vector.extract_strided_slice %get3A_34 {offsets = [2], sizes = [1], strides = [1]} : vector<16xi32> to vector<1xi32>
        %squeeze3A_204 = vector.extract %slice3A_203[0] : i32 from vector<1xi32>
        %mul3A_205 = arith.constant 144 : i32
        %mul3A_206 = arith.muli %squeeze3A_204, %mul3A_205 : i32
        %broadcast_in_dim3A_207 = vector.broadcast %mul3A_206 : i32 to vector<16xi32>
        %add3A_208 = arith.addi %broadcast_in_dim3A_207, %iota3A : vector<16xi32>
        %slice3A_209 = vector.extract_strided_slice %get3A_36 {offsets = [2], sizes = [1], strides = [1]} : vector<16xf32> to vector<1xf32>
        %squeeze3A_210 = vector.extract %slice3A_209[0] : f32 from vector<1xf32>
        %broadcast_in_dim3A_211 = vector.broadcast %squeeze3A_210 : f32 to vector<16xf32>
        %add3A_212 = arith.constant 2 : i32
        %add3A_213 = arith.addi %mul3A_33, %add3A_212 : i32
        %get3A_214 = arith.index_cast %add3A_213 : i32 to index
        %get3A_215 = arith.constant 0 : index
        %get3A_216 = tpu.vector_load %arg6[%get3A_214, %get3A_215] {strides = array<i32>} : memref<256x128xf32, #tpu.memory_space<vmem>>, vector<16xf32>,
        %add3A_217 = arith.constant 0 : i32
        %add3A_218 = vector.broadcast %add3A_217 : i32 to vector<16xi32>
        %add3A_219 = arith.addi %add3A_208, %add3A_218 : vector<16xi32>
        %mul3A_220 = arith.mulf %get3A_216, %broadcast_in_dim3A_211 : vector<16xf32>
        tpu.vector_store_idx %arg9[%add3A_219], %mul3A_220 {add = true} : memref<9216xf32, #tpu.memory_space<vmem>>[vector<16xi32>], vector<16xf32>,
        %add3A_221 = arith.constant 2 : i32
        %add3A_222 = arith.addi %mul3A_33, %add3A_221 : i32
        %get3A_223 = arith.index_cast %add3A_222 : i32 to index
        %get3A_224 = arith.constant 16 : index
        %get3A_225 = tpu.vector_load %arg6[%get3A_223, %get3A_224] {strides = array<i32>} : memref<256x128xf32, #tpu.memory_space<vmem>>, vector<16xf32>,
        %add3A_226 = arith.constant 16 : i32
        %add3A_227 = vector.broadcast %add3A_226 : i32 to vector<16xi32>
        %add3A_228 = arith.addi %add3A_208, %add3A_227 : vector<16xi32>
        %mul3A_229 = arith.mulf %get3A_225, %broadcast_in_dim3A_211 : vector<16xf32>
        tpu.vector_store_idx %arg9[%add3A_228], %mul3A_229 {add = true} : memref<9216xf32, #tpu.memory_space<vmem>>[vector<16xi32>], vector<16xf32>,
        %add3A_230 = arith.constant 2 : i32
        %add3A_231 = arith.addi %mul3A_33, %add3A_230 : i32
        %get3A_232 = arith.index_cast %add3A_231 : i32 to index
        %get3A_233 = arith.constant 32 : index
        %get3A_234 = tpu.vector_load %arg6[%get3A_232, %get3A_233] {strides = array<i32>} : memref<256x128xf32, #tpu.memory_space<vmem>>, vector<16xf32>,
        %add3A_235 = arith.constant 32 : i32
        %add3A_236 = vector.broadcast %add3A_235 : i32 to vector<16xi32>
        %add3A_237 = arith.addi %add3A_208, %add3A_236 : vector<16xi32>
        %mul3A_238 = arith.mulf %get3A_234, %broadcast_in_dim3A_211 : vector<16xf32>
        tpu.vector_store_idx %arg9[%add3A_237], %mul3A_238 {add = true} : memref<9216xf32, #tpu.memory_space<vmem>>[vector<16xi32>], vector<16xf32>,
        %add3A_239 = arith.constant 2 : i32
        %add3A_240 = arith.addi %mul3A_33, %add3A_239 : i32
        %get3A_241 = arith.index_cast %add3A_240 : i32 to index
        %get3A_242 = arith.constant 48 : index
        %get3A_243 = tpu.vector_load %arg6[%get3A_241, %get3A_242] {strides = array<i32>} : memref<256x128xf32, #tpu.memory_space<vmem>>, vector<16xf32>,
        %add3A_244 = arith.constant 48 : i32
        %add3A_245 = vector.broadcast %add3A_244 : i32 to vector<16xi32>
        %add3A_246 = arith.addi %add3A_208, %add3A_245 : vector<16xi32>
        %mul3A_247 = arith.mulf %get3A_243, %broadcast_in_dim3A_211 : vector<16xf32>
        tpu.vector_store_idx %arg9[%add3A_246], %mul3A_247 {add = true} : memref<9216xf32, #tpu.memory_space<vmem>>[vector<16xi32>], vector<16xf32>,
        %add3A_248 = arith.constant 2 : i32
        %add3A_249 = arith.addi %mul3A_33, %add3A_248 : i32
        %get3A_250 = arith.index_cast %add3A_249 : i32 to index
        %get3A_251 = arith.constant 64 : index
        %get3A_252 = tpu.vector_load %arg6[%get3A_250, %get3A_251] {strides = array<i32>} : memref<256x128xf32, #tpu.memory_space<vmem>>, vector<16xf32>,
        %add3A_253 = arith.constant 64 : i32
        %add3A_254 = vector.broadcast %add3A_253 : i32 to vector<16xi32>
        %add3A_255 = arith.addi %add3A_208, %add3A_254 : vector<16xi32>
        %mul3A_256 = arith.mulf %get3A_252, %broadcast_in_dim3A_211 : vector<16xf32>
        tpu.vector_store_idx %arg9[%add3A_255], %mul3A_256 {add = true} : memref<9216xf32, #tpu.memory_space<vmem>>[vector<16xi32>], vector<16xf32>,
        %add3A_257 = arith.constant 2 : i32
        %add3A_258 = arith.addi %mul3A_33, %add3A_257 : i32
        %get3A_259 = arith.index_cast %add3A_258 : i32 to index
        %get3A_260 = arith.constant 80 : index
        %get3A_261 = tpu.vector_load %arg6[%get3A_259, %get3A_260] {strides = array<i32>} : memref<256x128xf32, #tpu.memory_space<vmem>>, vector<16xf32>,
        %add3A_262 = arith.constant 80 : i32
        %add3A_263 = vector.broadcast %add3A_262 : i32 to vector<16xi32>
        %add3A_264 = arith.addi %add3A_208, %add3A_263 : vector<16xi32>
        %mul3A_265 = arith.mulf %get3A_261, %broadcast_in_dim3A_211 : vector<16xf32>
        tpu.vector_store_idx %arg9[%add3A_264], %mul3A_265 {add = true} : memref<9216xf32, #tpu.memory_space<vmem>>[vector<16xi32>], vector<16xf32>,
        %add3A_266 = arith.constant 2 : i32
        %add3A_267 = arith.addi %mul3A_33, %add3A_266 : i32
        %get3A_268 = arith.index_cast %add3A_267 : i32 to index
        %get3A_269 = arith.constant 96 : index
        %get3A_270 = tpu.vector_load %arg6[%get3A_268, %get3A_269] {strides = array<i32>} : memref<256x128xf32, #tpu.memory_space<vmem>>, vector<16xf32>,
        %add3A_271 = arith.constant 96 : i32
        %add3A_272 = vector.broadcast %add3A_271 : i32 to vector<16xi32>
        %add3A_273 = arith.addi %add3A_208, %add3A_272 : vector<16xi32>
        %mul3A_274 = arith.mulf %get3A_270, %broadcast_in_dim3A_211 : vector<16xf32>
        tpu.vector_store_idx %arg9[%add3A_273], %mul3A_274 {add = true} : memref<9216xf32, #tpu.memory_space<vmem>>[vector<16xi32>], vector<16xf32>,
        %add3A_275 = arith.constant 2 : i32
        %add3A_276 = arith.addi %mul3A_33, %add3A_275 : i32
        %get3A_277 = arith.index_cast %add3A_276 : i32 to index
        %get3A_278 = arith.constant 112 : index
        %get3A_279 = tpu.vector_load %arg6[%get3A_277, %get3A_278] {strides = array<i32>} : memref<256x128xf32, #tpu.memory_space<vmem>>, vector<16xf32>,
        %add3A_280 = arith.constant 112 : i32
        %add3A_281 = vector.broadcast %add3A_280 : i32 to vector<16xi32>
        %add3A_282 = arith.addi %add3A_208, %add3A_281 : vector<16xi32>
        %mul3A_283 = arith.mulf %get3A_279, %broadcast_in_dim3A_211 : vector<16xf32>
        tpu.vector_store_idx %arg9[%add3A_282], %mul3A_283 {add = true} : memref<9216xf32, #tpu.memory_space<vmem>>[vector<16xi32>], vector<16xf32>,
        %add3A_284 = arith.constant 128 : i32
        %add3A_285 = vector.broadcast %add3A_284 : i32 to vector<16xi32>
        %add3A_286 = arith.addi %add3A_208, %add3A_285 : vector<16xi32>
        tpu.vector_store_idx %arg9[%add3A_286], %broadcast_in_dim3A_211 {add = true} : memref<9216xf32, #tpu.memory_space<vmem>>[vector<16xi32>], vector<16xf32>,
        %slice3A_287 = vector.extract_strided_slice %get3A_34 {offsets = [3], sizes = [1], strides = [1]} : vector<16xi32> to vector<1xi32>
        %squeeze3A_288 = vector.extract %slice3A_287[0] : i32 from vector<1xi32>
        %mul3A_289 = arith.constant 144 : i32
        %mul3A_290 = arith.muli %squeeze3A_288, %mul3A_289 : i32
        %broadcast_in_dim3A_291 = vector.broadcast %mul3A_290 : i32 to vector<16xi32>
        %add3A_292 = arith.addi %broadcast_in_dim3A_291, %iota3A : vector<16xi32>
        %slice3A_293 = vector.extract_strided_slice %get3A_36 {offsets = [3], sizes = [1], strides = [1]} : vector<16xf32> to vector<1xf32>
        %squeeze3A_294 = vector.extract %slice3A_293[0] : f32 from vector<1xf32>
        %broadcast_in_dim3A_295 = vector.broadcast %squeeze3A_294 : f32 to vector<16xf32>
        %add3A_296 = arith.constant 3 : i32
        %add3A_297 = arith.addi %mul3A_33, %add3A_296 : i32
        %get3A_298 = arith.index_cast %add3A_297 : i32 to index
        %get3A_299 = arith.constant 0 : index
        %get3A_300 = tpu.vector_load %arg6[%get3A_298, %get3A_299] {strides = array<i32>} : memref<256x128xf32, #tpu.memory_space<vmem>>, vector<16xf32>,
        %add3A_301 = arith.constant 0 : i32
        %add3A_302 = vector.broadcast %add3A_301 : i32 to vector<16xi32>
        %add3A_303 = arith.addi %add3A_292, %add3A_302 : vector<16xi32>
        %mul3A_304 = arith.mulf %get3A_300, %broadcast_in_dim3A_295 : vector<16xf32>
        tpu.vector_store_idx %arg9[%add3A_303], %mul3A_304 {add = true} : memref<9216xf32, #tpu.memory_space<vmem>>[vector<16xi32>], vector<16xf32>,
        %add3A_305 = arith.constant 3 : i32
        %add3A_306 = arith.addi %mul3A_33, %add3A_305 : i32
        %get3A_307 = arith.index_cast %add3A_306 : i32 to index
        %get3A_308 = arith.constant 16 : index
        %get3A_309 = tpu.vector_load %arg6[%get3A_307, %get3A_308] {strides = array<i32>} : memref<256x128xf32, #tpu.memory_space<vmem>>, vector<16xf32>,
        %add3A_310 = arith.constant 16 : i32
        %add3A_311 = vector.broadcast %add3A_310 : i32 to vector<16xi32>
        %add3A_312 = arith.addi %add3A_292, %add3A_311 : vector<16xi32>
        %mul3A_313 = arith.mulf %get3A_309, %broadcast_in_dim3A_295 : vector<16xf32>
        tpu.vector_store_idx %arg9[%add3A_312], %mul3A_313 {add = true} : memref<9216xf32, #tpu.memory_space<vmem>>[vector<16xi32>], vector<16xf32>,
        %add3A_314 = arith.constant 3 : i32
        %add3A_315 = arith.addi %mul3A_33, %add3A_314 : i32
        %get3A_316 = arith.index_cast %add3A_315 : i32 to index
        %get3A_317 = arith.constant 32 : index
        %get3A_318 = tpu.vector_load %arg6[%get3A_316, %get3A_317] {strides = array<i32>} : memref<256x128xf32, #tpu.memory_space<vmem>>, vector<16xf32>,
        %add3A_319 = arith.constant 32 : i32
        %add3A_320 = vector.broadcast %add3A_319 : i32 to vector<16xi32>
        %add3A_321 = arith.addi %add3A_292, %add3A_320 : vector<16xi32>
        %mul3A_322 = arith.mulf %get3A_318, %broadcast_in_dim3A_295 : vector<16xf32>
        tpu.vector_store_idx %arg9[%add3A_321], %mul3A_322 {add = true} : memref<9216xf32, #tpu.memory_space<vmem>>[vector<16xi32>], vector<16xf32>,
        %add3A_323 = arith.constant 3 : i32
        %add3A_324 = arith.addi %mul3A_33, %add3A_323 : i32
        %get3A_325 = arith.index_cast %add3A_324 : i32 to index
        %get3A_326 = arith.constant 48 : index
        %get3A_327 = tpu.vector_load %arg6[%get3A_325, %get3A_326] {strides = array<i32>} : memref<256x128xf32, #tpu.memory_space<vmem>>, vector<16xf32>,
        %add3A_328 = arith.constant 48 : i32
        %add3A_329 = vector.broadcast %add3A_328 : i32 to vector<16xi32>
        %add3A_330 = arith.addi %add3A_292, %add3A_329 : vector<16xi32>
        %mul3A_331 = arith.mulf %get3A_327, %broadcast_in_dim3A_295 : vector<16xf32>
        tpu.vector_store_idx %arg9[%add3A_330], %mul3A_331 {add = true} : memref<9216xf32, #tpu.memory_space<vmem>>[vector<16xi32>], vector<16xf32>,
        %add3A_332 = arith.constant 3 : i32
        %add3A_333 = arith.addi %mul3A_33, %add3A_332 : i32
        %get3A_334 = arith.index_cast %add3A_333 : i32 to index
        %get3A_335 = arith.constant 64 : index
        %get3A_336 = tpu.vector_load %arg6[%get3A_334, %get3A_335] {strides = array<i32>} : memref<256x128xf32, #tpu.memory_space<vmem>>, vector<16xf32>,
        %add3A_337 = arith.constant 64 : i32
        %add3A_338 = vector.broadcast %add3A_337 : i32 to vector<16xi32>
        %add3A_339 = arith.addi %add3A_292, %add3A_338 : vector<16xi32>
        %mul3A_340 = arith.mulf %get3A_336, %broadcast_in_dim3A_295 : vector<16xf32>
        tpu.vector_store_idx %arg9[%add3A_339], %mul3A_340 {add = true} : memref<9216xf32, #tpu.memory_space<vmem>>[vector<16xi32>], vector<16xf32>,
        %add3A_341 = arith.constant 3 : i32
        %add3A_342 = arith.addi %mul3A_33, %add3A_341 : i32
        %get3A_343 = arith.index_cast %add3A_342 : i32 to index
        %get3A_344 = arith.constant 80 : index
        %get3A_345 = tpu.vector_load %arg6[%get3A_343, %get3A_344] {strides = array<i32>} : memref<256x128xf32, #tpu.memory_space<vmem>>, vector<16xf32>,
        %add3A_346 = arith.constant 80 : i32
        %add3A_347 = vector.broadcast %add3A_346 : i32 to vector<16xi32>
        %add3A_348 = arith.addi %add3A_292, %add3A_347 : vector<16xi32>
        %mul3A_349 = arith.mulf %get3A_345, %broadcast_in_dim3A_295 : vector<16xf32>
        tpu.vector_store_idx %arg9[%add3A_348], %mul3A_349 {add = true} : memref<9216xf32, #tpu.memory_space<vmem>>[vector<16xi32>], vector<16xf32>,
        %add3A_350 = arith.constant 3 : i32
        %add3A_351 = arith.addi %mul3A_33, %add3A_350 : i32
        %get3A_352 = arith.index_cast %add3A_351 : i32 to index
        %get3A_353 = arith.constant 96 : index
        %get3A_354 = tpu.vector_load %arg6[%get3A_352, %get3A_353] {strides = array<i32>} : memref<256x128xf32, #tpu.memory_space<vmem>>, vector<16xf32>,
        %add3A_355 = arith.constant 96 : i32
        %add3A_356 = vector.broadcast %add3A_355 : i32 to vector<16xi32>
        %add3A_357 = arith.addi %add3A_292, %add3A_356 : vector<16xi32>
        %mul3A_358 = arith.mulf %get3A_354, %broadcast_in_dim3A_295 : vector<16xf32>
        tpu.vector_store_idx %arg9[%add3A_357], %mul3A_358 {add = true} : memref<9216xf32, #tpu.memory_space<vmem>>[vector<16xi32>], vector<16xf32>,
        %add3A_359 = arith.constant 3 : i32
        %add3A_360 = arith.addi %mul3A_33, %add3A_359 : i32
        %get3A_361 = arith.index_cast %add3A_360 : i32 to index
        %get3A_362 = arith.constant 112 : index
        %get3A_363 = tpu.vector_load %arg6[%get3A_361, %get3A_362] {strides = array<i32>} : memref<256x128xf32, #tpu.memory_space<vmem>>, vector<16xf32>,
        %add3A_364 = arith.constant 112 : i32
        %add3A_365 = vector.broadcast %add3A_364 : i32 to vector<16xi32>
        %add3A_366 = arith.addi %add3A_292, %add3A_365 : vector<16xi32>
        %mul3A_367 = arith.mulf %get3A_363, %broadcast_in_dim3A_295 : vector<16xf32>
        tpu.vector_store_idx %arg9[%add3A_366], %mul3A_367 {add = true} : memref<9216xf32, #tpu.memory_space<vmem>>[vector<16xi32>], vector<16xf32>,
        %add3A_368 = arith.constant 128 : i32
        %add3A_369 = vector.broadcast %add3A_368 : i32 to vector<16xi32>
        %add3A_370 = arith.addi %add3A_292, %add3A_369 : vector<16xi32>
        tpu.vector_store_idx %arg9[%add3A_370], %broadcast_in_dim3A_295 {add = true} : memref<9216xf32, #tpu.memory_space<vmem>>[vector<16xi32>], vector<16xf32>,
        %slice3A_371 = vector.extract_strided_slice %get3A_34 {offsets = [4], sizes = [1], strides = [1]} : vector<16xi32> to vector<1xi32>
        %squeeze3A_372 = vector.extract %slice3A_371[0] : i32 from vector<1xi32>
        %mul3A_373 = arith.constant 144 : i32
        %mul3A_374 = arith.muli %squeeze3A_372, %mul3A_373 : i32
        %broadcast_in_dim3A_375 = vector.broadcast %mul3A_374 : i32 to vector<16xi32>
        %add3A_376 = arith.addi %broadcast_in_dim3A_375, %iota3A : vector<16xi32>
        %slice3A_377 = vector.extract_strided_slice %get3A_36 {offsets = [4], sizes = [1], strides = [1]} : vector<16xf32> to vector<1xf32>
        %squeeze3A_378 = vector.extract %slice3A_377[0] : f32 from vector<1xf32>
        %broadcast_in_dim3A_379 = vector.broadcast %squeeze3A_378 : f32 to vector<16xf32>
        %add3A_380 = arith.constant 4 : i32
        %add3A_381 = arith.addi %mul3A_33, %add3A_380 : i32
        %get3A_382 = arith.index_cast %add3A_381 : i32 to index
        %get3A_383 = arith.constant 0 : index
        %get3A_384 = tpu.vector_load %arg6[%get3A_382, %get3A_383] {strides = array<i32>} : memref<256x128xf32, #tpu.memory_space<vmem>>, vector<16xf32>,
        %add3A_385 = arith.constant 0 : i32
        %add3A_386 = vector.broadcast %add3A_385 : i32 to vector<16xi32>
        %add3A_387 = arith.addi %add3A_376, %add3A_386 : vector<16xi32>
        %mul3A_388 = arith.mulf %get3A_384, %broadcast_in_dim3A_379 : vector<16xf32>
        tpu.vector_store_idx %arg9[%add3A_387], %mul3A_388 {add = true} : memref<9216xf32, #tpu.memory_space<vmem>>[vector<16xi32>], vector<16xf32>,
        %add3A_389 = arith.constant 4 : i32
        %add3A_390 = arith.addi %mul3A_33, %add3A_389 : i32
        %get3A_391 = arith.index_cast %add3A_390 : i32 to index
        %get3A_392 = arith.constant 16 : index
        %get3A_393 = tpu.vector_load %arg6[%get3A_391, %get3A_392] {strides = array<i32>} : memref<256x128xf32, #tpu.memory_space<vmem>>, vector<16xf32>,
        %add3A_394 = arith.constant 16 : i32
        %add3A_395 = vector.broadcast %add3A_394 : i32 to vector<16xi32>
        %add3A_396 = arith.addi %add3A_376, %add3A_395 : vector<16xi32>
        %mul3A_397 = arith.mulf %get3A_393, %broadcast_in_dim3A_379 : vector<16xf32>
        tpu.vector_store_idx %arg9[%add3A_396], %mul3A_397 {add = true} : memref<9216xf32, #tpu.memory_space<vmem>>[vector<16xi32>], vector<16xf32>,
        %add3A_398 = arith.constant 4 : i32
        %add3A_399 = arith.addi %mul3A_33, %add3A_398 : i32
        %get3A_400 = arith.index_cast %add3A_399 : i32 to index
        %get3A_401 = arith.constant 32 : index
        %get3A_402 = tpu.vector_load %arg6[%get3A_400, %get3A_401] {strides = array<i32>} : memref<256x128xf32, #tpu.memory_space<vmem>>, vector<16xf32>,
        %add3A_403 = arith.constant 32 : i32
        %add3A_404 = vector.broadcast %add3A_403 : i32 to vector<16xi32>
        %add3A_405 = arith.addi %add3A_376, %add3A_404 : vector<16xi32>
        %mul3A_406 = arith.mulf %get3A_402, %broadcast_in_dim3A_379 : vector<16xf32>
        tpu.vector_store_idx %arg9[%add3A_405], %mul3A_406 {add = true} : memref<9216xf32, #tpu.memory_space<vmem>>[vector<16xi32>], vector<16xf32>,
        %add3A_407 = arith.constant 4 : i32
        %add3A_408 = arith.addi %mul3A_33, %add3A_407 : i32
        %get3A_409 = arith.index_cast %add3A_408 : i32 to index
        %get3A_410 = arith.constant 48 : index
        %get3A_411 = tpu.vector_load %arg6[%get3A_409, %get3A_410] {strides = array<i32>} : memref<256x128xf32, #tpu.memory_space<vmem>>, vector<16xf32>,
        %add3A_412 = arith.constant 48 : i32
        %add3A_413 = vector.broadcast %add3A_412 : i32 to vector<16xi32>
        %add3A_414 = arith.addi %add3A_376, %add3A_413 : vector<16xi32>
        %mul3A_415 = arith.mulf %get3A_411, %broadcast_in_dim3A_379 : vector<16xf32>
        tpu.vector_store_idx %arg9[%add3A_414], %mul3A_415 {add = true} : memref<9216xf32, #tpu.memory_space<vmem>>[vector<16xi32>], vector<16xf32>,
        %add3A_416 = arith.constant 4 : i32
        %add3A_417 = arith.addi %mul3A_33, %add3A_416 : i32
        %get3A_418 = arith.index_cast %add3A_417 : i32 to index
        %get3A_419 = arith.constant 64 : index
        %get3A_420 = tpu.vector_load %arg6[%get3A_418, %get3A_419] {strides = array<i32>} : memref<256x128xf32, #tpu.memory_space<vmem>>, vector<16xf32>,
        %add3A_421 = arith.constant 64 : i32
        %add3A_422 = vector.broadcast %add3A_421 : i32 to vector<16xi32>
        %add3A_423 = arith.addi %add3A_376, %add3A_422 : vector<16xi32>
        %mul3A_424 = arith.mulf %get3A_420, %broadcast_in_dim3A_379 : vector<16xf32>
        tpu.vector_store_idx %arg9[%add3A_423], %mul3A_424 {add = true} : memref<9216xf32, #tpu.memory_space<vmem>>[vector<16xi32>], vector<16xf32>,
        %add3A_425 = arith.constant 4 : i32
        %add3A_426 = arith.addi %mul3A_33, %add3A_425 : i32
        %get3A_427 = arith.index_cast %add3A_426 : i32 to index
        %get3A_428 = arith.constant 80 : index
        %get3A_429 = tpu.vector_load %arg6[%get3A_427, %get3A_428] {strides = array<i32>} : memref<256x128xf32, #tpu.memory_space<vmem>>, vector<16xf32>,
        %add3A_430 = arith.constant 80 : i32
        %add3A_431 = vector.broadcast %add3A_430 : i32 to vector<16xi32>
        %add3A_432 = arith.addi %add3A_376, %add3A_431 : vector<16xi32>
        %mul3A_433 = arith.mulf %get3A_429, %broadcast_in_dim3A_379 : vector<16xf32>
        tpu.vector_store_idx %arg9[%add3A_432], %mul3A_433 {add = true} : memref<9216xf32, #tpu.memory_space<vmem>>[vector<16xi32>], vector<16xf32>,
        %add3A_434 = arith.constant 4 : i32
        %add3A_435 = arith.addi %mul3A_33, %add3A_434 : i32
        %get3A_436 = arith.index_cast %add3A_435 : i32 to index
        %get3A_437 = arith.constant 96 : index
        %get3A_438 = tpu.vector_load %arg6[%get3A_436, %get3A_437] {strides = array<i32>} : memref<256x128xf32, #tpu.memory_space<vmem>>, vector<16xf32>,
        %add3A_439 = arith.constant 96 : i32
        %add3A_440 = vector.broadcast %add3A_439 : i32 to vector<16xi32>
        %add3A_441 = arith.addi %add3A_376, %add3A_440 : vector<16xi32>
        %mul3A_442 = arith.mulf %get3A_438, %broadcast_in_dim3A_379 : vector<16xf32>
        tpu.vector_store_idx %arg9[%add3A_441], %mul3A_442 {add = true} : memref<9216xf32, #tpu.memory_space<vmem>>[vector<16xi32>], vector<16xf32>,
        %add3A_443 = arith.constant 4 : i32
        %add3A_444 = arith.addi %mul3A_33, %add3A_443 : i32
        %get3A_445 = arith.index_cast %add3A_444 : i32 to index
        %get3A_446 = arith.constant 112 : index
        %get3A_447 = tpu.vector_load %arg6[%get3A_445, %get3A_446] {strides = array<i32>} : memref<256x128xf32, #tpu.memory_space<vmem>>, vector<16xf32>,
        %add3A_448 = arith.constant 112 : i32
        %add3A_449 = vector.broadcast %add3A_448 : i32 to vector<16xi32>
        %add3A_450 = arith.addi %add3A_376, %add3A_449 : vector<16xi32>
        %mul3A_451 = arith.mulf %get3A_447, %broadcast_in_dim3A_379 : vector<16xf32>
        tpu.vector_store_idx %arg9[%add3A_450], %mul3A_451 {add = true} : memref<9216xf32, #tpu.memory_space<vmem>>[vector<16xi32>], vector<16xf32>,
        %add3A_452 = arith.constant 128 : i32
        %add3A_453 = vector.broadcast %add3A_452 : i32 to vector<16xi32>
        %add3A_454 = arith.addi %add3A_376, %add3A_453 : vector<16xi32>
        tpu.vector_store_idx %arg9[%add3A_454], %broadcast_in_dim3A_379 {add = true} : memref<9216xf32, #tpu.memory_space<vmem>>[vector<16xi32>], vector<16xf32>,
        %slice3A_455 = vector.extract_strided_slice %get3A_34 {offsets = [5], sizes = [1], strides = [1]} : vector<16xi32> to vector<1xi32>
        %squeeze3A_456 = vector.extract %slice3A_455[0] : i32 from vector<1xi32>
        %mul3A_457 = arith.constant 144 : i32
        %mul3A_458 = arith.muli %squeeze3A_456, %mul3A_457 : i32
        %broadcast_in_dim3A_459 = vector.broadcast %mul3A_458 : i32 to vector<16xi32>
        %add3A_460 = arith.addi %broadcast_in_dim3A_459, %iota3A : vector<16xi32>
        %slice3A_461 = vector.extract_strided_slice %get3A_36 {offsets = [5], sizes = [1], strides = [1]} : vector<16xf32> to vector<1xf32>
        %squeeze3A_462 = vector.extract %slice3A_461[0] : f32 from vector<1xf32>
        %broadcast_in_dim3A_463 = vector.broadcast %squeeze3A_462 : f32 to vector<16xf32>
        %add3A_464 = arith.constant 5 : i32
        %add3A_465 = arith.addi %mul3A_33, %add3A_464 : i32
        %get3A_466 = arith.index_cast %add3A_465 : i32 to index
        %get3A_467 = arith.constant 0 : index
        %get3A_468 = tpu.vector_load %arg6[%get3A_466, %get3A_467] {strides = array<i32>} : memref<256x128xf32, #tpu.memory_space<vmem>>, vector<16xf32>,
        %add3A_469 = arith.constant 0 : i32
        %add3A_470 = vector.broadcast %add3A_469 : i32 to vector<16xi32>
        %add3A_471 = arith.addi %add3A_460, %add3A_470 : vector<16xi32>
        %mul3A_472 = arith.mulf %get3A_468, %broadcast_in_dim3A_463 : vector<16xf32>
        tpu.vector_store_idx %arg9[%add3A_471], %mul3A_472 {add = true} : memref<9216xf32, #tpu.memory_space<vmem>>[vector<16xi32>], vector<16xf32>,
        %add3A_473 = arith.constant 5 : i32
        %add3A_474 = arith.addi %mul3A_33, %add3A_473 : i32
        %get3A_475 = arith.index_cast %add3A_474 : i32 to index
        %get3A_476 = arith.constant 16 : index
        %get3A_477 = tpu.vector_load %arg6[%get3A_475, %get3A_476] {strides = array<i32>} : memref<256x128xf32, #tpu.memory_space<vmem>>, vector<16xf32>,
        %add3A_478 = arith.constant 16 : i32
        %add3A_479 = vector.broadcast %add3A_478 : i32 to vector<16xi32>
        %add3A_480 = arith.addi %add3A_460, %add3A_479 : vector<16xi32>
        %mul3A_481 = arith.mulf %get3A_477, %broadcast_in_dim3A_463 : vector<16xf32>
        tpu.vector_store_idx %arg9[%add3A_480], %mul3A_481 {add = true} : memref<9216xf32, #tpu.memory_space<vmem>>[vector<16xi32>], vector<16xf32>,
        %add3A_482 = arith.constant 5 : i32
        %add3A_483 = arith.addi %mul3A_33, %add3A_482 : i32
        %get3A_484 = arith.index_cast %add3A_483 : i32 to index
        %get3A_485 = arith.constant 32 : index
        %get3A_486 = tpu.vector_load %arg6[%get3A_484, %get3A_485] {strides = array<i32>} : memref<256x128xf32, #tpu.memory_space<vmem>>, vector<16xf32>,
        %add3A_487 = arith.constant 32 : i32
        %add3A_488 = vector.broadcast %add3A_487 : i32 to vector<16xi32>
        %add3A_489 = arith.addi %add3A_460, %add3A_488 : vector<16xi32>
        %mul3A_490 = arith.mulf %get3A_486, %broadcast_in_dim3A_463 : vector<16xf32>
        tpu.vector_store_idx %arg9[%add3A_489], %mul3A_490 {add = true} : memref<9216xf32, #tpu.memory_space<vmem>>[vector<16xi32>], vector<16xf32>,
        %add3A_491 = arith.constant 5 : i32
        %add3A_492 = arith.addi %mul3A_33, %add3A_491 : i32
        %get3A_493 = arith.index_cast %add3A_492 : i32 to index
        %get3A_494 = arith.constant 48 : index
        %get3A_495 = tpu.vector_load %arg6[%get3A_493, %get3A_494] {strides = array<i32>} : memref<256x128xf32, #tpu.memory_space<vmem>>, vector<16xf32>,
        %add3A_496 = arith.constant 48 : i32
        %add3A_497 = vector.broadcast %add3A_496 : i32 to vector<16xi32>
        %add3A_498 = arith.addi %add3A_460, %add3A_497 : vector<16xi32>
        %mul3A_499 = arith.mulf %get3A_495, %broadcast_in_dim3A_463 : vector<16xf32>
        tpu.vector_store_idx %arg9[%add3A_498], %mul3A_499 {add = true} : memref<9216xf32, #tpu.memory_space<vmem>>[vector<16xi32>], vector<16xf32>,
        %add3A_500 = arith.constant 5 : i32
        %add3A_501 = arith.addi %mul3A_33, %add3A_500 : i32
        %get3A_502 = arith.index_cast %add3A_501 : i32 to index
        %get3A_503 = arith.constant 64 : index
        %get3A_504 = tpu.vector_load %arg6[%get3A_502, %get3A_503] {strides = array<i32>} : memref<256x128xf32, #tpu.memory_space<vmem>>, vector<16xf32>,
        %add3A_505 = arith.constant 64 : i32
        %add3A_506 = vector.broadcast %add3A_505 : i32 to vector<16xi32>
        %add3A_507 = arith.addi %add3A_460, %add3A_506 : vector<16xi32>
        %mul3A_508 = arith.mulf %get3A_504, %broadcast_in_dim3A_463 : vector<16xf32>
        tpu.vector_store_idx %arg9[%add3A_507], %mul3A_508 {add = true} : memref<9216xf32, #tpu.memory_space<vmem>>[vector<16xi32>], vector<16xf32>,
        %add3A_509 = arith.constant 5 : i32
        %add3A_510 = arith.addi %mul3A_33, %add3A_509 : i32
        %get3A_511 = arith.index_cast %add3A_510 : i32 to index
        %get3A_512 = arith.constant 80 : index
        %get3A_513 = tpu.vector_load %arg6[%get3A_511, %get3A_512] {strides = array<i32>} : memref<256x128xf32, #tpu.memory_space<vmem>>, vector<16xf32>,
        %add3A_514 = arith.constant 80 : i32
        %add3A_515 = vector.broadcast %add3A_514 : i32 to vector<16xi32>
        %add3A_516 = arith.addi %add3A_460, %add3A_515 : vector<16xi32>
        %mul3A_517 = arith.mulf %get3A_513, %broadcast_in_dim3A_463 : vector<16xf32>
        tpu.vector_store_idx %arg9[%add3A_516], %mul3A_517 {add = true} : memref<9216xf32, #tpu.memory_space<vmem>>[vector<16xi32>], vector<16xf32>,
        %add3A_518 = arith.constant 5 : i32
        %add3A_519 = arith.addi %mul3A_33, %add3A_518 : i32
        %get3A_520 = arith.index_cast %add3A_519 : i32 to index
        %get3A_521 = arith.constant 96 : index
        %get3A_522 = tpu.vector_load %arg6[%get3A_520, %get3A_521] {strides = array<i32>} : memref<256x128xf32, #tpu.memory_space<vmem>>, vector<16xf32>,
        %add3A_523 = arith.constant 96 : i32
        %add3A_524 = vector.broadcast %add3A_523 : i32 to vector<16xi32>
        %add3A_525 = arith.addi %add3A_460, %add3A_524 : vector<16xi32>
        %mul3A_526 = arith.mulf %get3A_522, %broadcast_in_dim3A_463 : vector<16xf32>
        tpu.vector_store_idx %arg9[%add3A_525], %mul3A_526 {add = true} : memref<9216xf32, #tpu.memory_space<vmem>>[vector<16xi32>], vector<16xf32>,
        %add3A_527 = arith.constant 5 : i32
        %add3A_528 = arith.addi %mul3A_33, %add3A_527 : i32
        %get3A_529 = arith.index_cast %add3A_528 : i32 to index
        %get3A_530 = arith.constant 112 : index
        %get3A_531 = tpu.vector_load %arg6[%get3A_529, %get3A_530] {strides = array<i32>} : memref<256x128xf32, #tpu.memory_space<vmem>>, vector<16xf32>,
        %add3A_532 = arith.constant 112 : i32
        %add3A_533 = vector.broadcast %add3A_532 : i32 to vector<16xi32>
        %add3A_534 = arith.addi %add3A_460, %add3A_533 : vector<16xi32>
        %mul3A_535 = arith.mulf %get3A_531, %broadcast_in_dim3A_463 : vector<16xf32>
        tpu.vector_store_idx %arg9[%add3A_534], %mul3A_535 {add = true} : memref<9216xf32, #tpu.memory_space<vmem>>[vector<16xi32>], vector<16xf32>,
        %add3A_536 = arith.constant 128 : i32
        %add3A_537 = vector.broadcast %add3A_536 : i32 to vector<16xi32>
        %add3A_538 = arith.addi %add3A_460, %add3A_537 : vector<16xi32>
        tpu.vector_store_idx %arg9[%add3A_538], %broadcast_in_dim3A_463 {add = true} : memref<9216xf32, #tpu.memory_space<vmem>>[vector<16xi32>], vector<16xf32>,
        %slice3A_539 = vector.extract_strided_slice %get3A_34 {offsets = [6], sizes = [1], strides = [1]} : vector<16xi32> to vector<1xi32>
        %squeeze3A_540 = vector.extract %slice3A_539[0] : i32 from vector<1xi32>
        %mul3A_541 = arith.constant 144 : i32
        %mul3A_542 = arith.muli %squeeze3A_540, %mul3A_541 : i32
        %broadcast_in_dim3A_543 = vector.broadcast %mul3A_542 : i32 to vector<16xi32>
        %add3A_544 = arith.addi %broadcast_in_dim3A_543, %iota3A : vector<16xi32>
        %slice3A_545 = vector.extract_strided_slice %get3A_36 {offsets = [6], sizes = [1], strides = [1]} : vector<16xf32> to vector<1xf32>
        %squeeze3A_546 = vector.extract %slice3A_545[0] : f32 from vector<1xf32>
        %broadcast_in_dim3A_547 = vector.broadcast %squeeze3A_546 : f32 to vector<16xf32>
        %add3A_548 = arith.constant 6 : i32
        %add3A_549 = arith.addi %mul3A_33, %add3A_548 : i32
        %get3A_550 = arith.index_cast %add3A_549 : i32 to index
        %get3A_551 = arith.constant 0 : index
        %get3A_552 = tpu.vector_load %arg6[%get3A_550, %get3A_551] {strides = array<i32>} : memref<256x128xf32, #tpu.memory_space<vmem>>, vector<16xf32>,
        %add3A_553 = arith.constant 0 : i32
        %add3A_554 = vector.broadcast %add3A_553 : i32 to vector<16xi32>
        %add3A_555 = arith.addi %add3A_544, %add3A_554 : vector<16xi32>
        %mul3A_556 = arith.mulf %get3A_552, %broadcast_in_dim3A_547 : vector<16xf32>
        tpu.vector_store_idx %arg9[%add3A_555], %mul3A_556 {add = true} : memref<9216xf32, #tpu.memory_space<vmem>>[vector<16xi32>], vector<16xf32>,
        %add3A_557 = arith.constant 6 : i32
        %add3A_558 = arith.addi %mul3A_33, %add3A_557 : i32
        %get3A_559 = arith.index_cast %add3A_558 : i32 to index
        %get3A_560 = arith.constant 16 : index
        %get3A_561 = tpu.vector_load %arg6[%get3A_559, %get3A_560] {strides = array<i32>} : memref<256x128xf32, #tpu.memory_space<vmem>>, vector<16xf32>,
        %add3A_562 = arith.constant 16 : i32
        %add3A_563 = vector.broadcast %add3A_562 : i32 to vector<16xi32>
        %add3A_564 = arith.addi %add3A_544, %add3A_563 : vector<16xi32>
        %mul3A_565 = arith.mulf %get3A_561, %broadcast_in_dim3A_547 : vector<16xf32>
        tpu.vector_store_idx %arg9[%add3A_564], %mul3A_565 {add = true} : memref<9216xf32, #tpu.memory_space<vmem>>[vector<16xi32>], vector<16xf32>,
        %add3A_566 = arith.constant 6 : i32
        %add3A_567 = arith.addi %mul3A_33, %add3A_566 : i32
        %get3A_568 = arith.index_cast %add3A_567 : i32 to index
        %get3A_569 = arith.constant 32 : index
        %get3A_570 = tpu.vector_load %arg6[%get3A_568, %get3A_569] {strides = array<i32>} : memref<256x128xf32, #tpu.memory_space<vmem>>, vector<16xf32>,
        %add3A_571 = arith.constant 32 : i32
        %add3A_572 = vector.broadcast %add3A_571 : i32 to vector<16xi32>
        %add3A_573 = arith.addi %add3A_544, %add3A_572 : vector<16xi32>
        %mul3A_574 = arith.mulf %get3A_570, %broadcast_in_dim3A_547 : vector<16xf32>
        tpu.vector_store_idx %arg9[%add3A_573], %mul3A_574 {add = true} : memref<9216xf32, #tpu.memory_space<vmem>>[vector<16xi32>], vector<16xf32>,
        %add3A_575 = arith.constant 6 : i32
        %add3A_576 = arith.addi %mul3A_33, %add3A_575 : i32
        %get3A_577 = arith.index_cast %add3A_576 : i32 to index
        %get3A_578 = arith.constant 48 : index
        %get3A_579 = tpu.vector_load %arg6[%get3A_577, %get3A_578] {strides = array<i32>} : memref<256x128xf32, #tpu.memory_space<vmem>>, vector<16xf32>,
        %add3A_580 = arith.constant 48 : i32
        %add3A_581 = vector.broadcast %add3A_580 : i32 to vector<16xi32>
        %add3A_582 = arith.addi %add3A_544, %add3A_581 : vector<16xi32>
        %mul3A_583 = arith.mulf %get3A_579, %broadcast_in_dim3A_547 : vector<16xf32>
        tpu.vector_store_idx %arg9[%add3A_582], %mul3A_583 {add = true} : memref<9216xf32, #tpu.memory_space<vmem>>[vector<16xi32>], vector<16xf32>,
        %add3A_584 = arith.constant 6 : i32
        %add3A_585 = arith.addi %mul3A_33, %add3A_584 : i32
        %get3A_586 = arith.index_cast %add3A_585 : i32 to index
        %get3A_587 = arith.constant 64 : index
        %get3A_588 = tpu.vector_load %arg6[%get3A_586, %get3A_587] {strides = array<i32>} : memref<256x128xf32, #tpu.memory_space<vmem>>, vector<16xf32>,
        %add3A_589 = arith.constant 64 : i32
        %add3A_590 = vector.broadcast %add3A_589 : i32 to vector<16xi32>
        %add3A_591 = arith.addi %add3A_544, %add3A_590 : vector<16xi32>
        %mul3A_592 = arith.mulf %get3A_588, %broadcast_in_dim3A_547 : vector<16xf32>
        tpu.vector_store_idx %arg9[%add3A_591], %mul3A_592 {add = true} : memref<9216xf32, #tpu.memory_space<vmem>>[vector<16xi32>], vector<16xf32>,
        %add3A_593 = arith.constant 6 : i32
        %add3A_594 = arith.addi %mul3A_33, %add3A_593 : i32
        %get3A_595 = arith.index_cast %add3A_594 : i32 to index
        %get3A_596 = arith.constant 80 : index
        %get3A_597 = tpu.vector_load %arg6[%get3A_595, %get3A_596] {strides = array<i32>} : memref<256x128xf32, #tpu.memory_space<vmem>>, vector<16xf32>,
        %add3A_598 = arith.constant 80 : i32
        %add3A_599 = vector.broadcast %add3A_598 : i32 to vector<16xi32>
        %add3A_600 = arith.addi %add3A_544, %add3A_599 : vector<16xi32>
        %mul3A_601 = arith.mulf %get3A_597, %broadcast_in_dim3A_547 : vector<16xf32>
        tpu.vector_store_idx %arg9[%add3A_600], %mul3A_601 {add = true} : memref<9216xf32, #tpu.memory_space<vmem>>[vector<16xi32>], vector<16xf32>,
        %add3A_602 = arith.constant 6 : i32
        %add3A_603 = arith.addi %mul3A_33, %add3A_602 : i32
        %get3A_604 = arith.index_cast %add3A_603 : i32 to index
        %get3A_605 = arith.constant 96 : index
        %get3A_606 = tpu.vector_load %arg6[%get3A_604, %get3A_605] {strides = array<i32>} : memref<256x128xf32, #tpu.memory_space<vmem>>, vector<16xf32>,
        %add3A_607 = arith.constant 96 : i32
        %add3A_608 = vector.broadcast %add3A_607 : i32 to vector<16xi32>
        %add3A_609 = arith.addi %add3A_544, %add3A_608 : vector<16xi32>
        %mul3A_610 = arith.mulf %get3A_606, %broadcast_in_dim3A_547 : vector<16xf32>
        tpu.vector_store_idx %arg9[%add3A_609], %mul3A_610 {add = true} : memref<9216xf32, #tpu.memory_space<vmem>>[vector<16xi32>], vector<16xf32>,
        %add3A_611 = arith.constant 6 : i32
        %add3A_612 = arith.addi %mul3A_33, %add3A_611 : i32
        %get3A_613 = arith.index_cast %add3A_612 : i32 to index
        %get3A_614 = arith.constant 112 : index
        %get3A_615 = tpu.vector_load %arg6[%get3A_613, %get3A_614] {strides = array<i32>} : memref<256x128xf32, #tpu.memory_space<vmem>>, vector<16xf32>,
        %add3A_616 = arith.constant 112 : i32
        %add3A_617 = vector.broadcast %add3A_616 : i32 to vector<16xi32>
        %add3A_618 = arith.addi %add3A_544, %add3A_617 : vector<16xi32>
        %mul3A_619 = arith.mulf %get3A_615, %broadcast_in_dim3A_547 : vector<16xf32>
        tpu.vector_store_idx %arg9[%add3A_618], %mul3A_619 {add = true} : memref<9216xf32, #tpu.memory_space<vmem>>[vector<16xi32>], vector<16xf32>,
        %add3A_620 = arith.constant 128 : i32
        %add3A_621 = vector.broadcast %add3A_620 : i32 to vector<16xi32>
        %add3A_622 = arith.addi %add3A_544, %add3A_621 : vector<16xi32>
        tpu.vector_store_idx %arg9[%add3A_622], %broadcast_in_dim3A_547 {add = true} : memref<9216xf32, #tpu.memory_space<vmem>>[vector<16xi32>], vector<16xf32>,
        %slice3A_623 = vector.extract_strided_slice %get3A_34 {offsets = [7], sizes = [1], strides = [1]} : vector<16xi32> to vector<1xi32>
        %squeeze3A_624 = vector.extract %slice3A_623[0] : i32 from vector<1xi32>
        %mul3A_625 = arith.constant 144 : i32
        %mul3A_626 = arith.muli %squeeze3A_624, %mul3A_625 : i32
        %broadcast_in_dim3A_627 = vector.broadcast %mul3A_626 : i32 to vector<16xi32>
        %add3A_628 = arith.addi %broadcast_in_dim3A_627, %iota3A : vector<16xi32>
        %slice3A_629 = vector.extract_strided_slice %get3A_36 {offsets = [7], sizes = [1], strides = [1]} : vector<16xf32> to vector<1xf32>
        %squeeze3A_630 = vector.extract %slice3A_629[0] : f32 from vector<1xf32>
        %broadcast_in_dim3A_631 = vector.broadcast %squeeze3A_630 : f32 to vector<16xf32>
        %add3A_632 = arith.constant 7 : i32
        %add3A_633 = arith.addi %mul3A_33, %add3A_632 : i32
        %get3A_634 = arith.index_cast %add3A_633 : i32 to index
        %get3A_635 = arith.constant 0 : index
        %get3A_636 = tpu.vector_load %arg6[%get3A_634, %get3A_635] {strides = array<i32>} : memref<256x128xf32, #tpu.memory_space<vmem>>, vector<16xf32>,
        %add3A_637 = arith.constant 0 : i32
        %add3A_638 = vector.broadcast %add3A_637 : i32 to vector<16xi32>
        %add3A_639 = arith.addi %add3A_628, %add3A_638 : vector<16xi32>
        %mul3A_640 = arith.mulf %get3A_636, %broadcast_in_dim3A_631 : vector<16xf32>
        tpu.vector_store_idx %arg9[%add3A_639], %mul3A_640 {add = true} : memref<9216xf32, #tpu.memory_space<vmem>>[vector<16xi32>], vector<16xf32>,
        %add3A_641 = arith.constant 7 : i32
        %add3A_642 = arith.addi %mul3A_33, %add3A_641 : i32
        %get3A_643 = arith.index_cast %add3A_642 : i32 to index
        %get3A_644 = arith.constant 16 : index
        %get3A_645 = tpu.vector_load %arg6[%get3A_643, %get3A_644] {strides = array<i32>} : memref<256x128xf32, #tpu.memory_space<vmem>>, vector<16xf32>,
        %add3A_646 = arith.constant 16 : i32
        %add3A_647 = vector.broadcast %add3A_646 : i32 to vector<16xi32>
        %add3A_648 = arith.addi %add3A_628, %add3A_647 : vector<16xi32>
        %mul3A_649 = arith.mulf %get3A_645, %broadcast_in_dim3A_631 : vector<16xf32>
        tpu.vector_store_idx %arg9[%add3A_648], %mul3A_649 {add = true} : memref<9216xf32, #tpu.memory_space<vmem>>[vector<16xi32>], vector<16xf32>,
        %add3A_650 = arith.constant 7 : i32
        %add3A_651 = arith.addi %mul3A_33, %add3A_650 : i32
        %get3A_652 = arith.index_cast %add3A_651 : i32 to index
        %get3A_653 = arith.constant 32 : index
        %get3A_654 = tpu.vector_load %arg6[%get3A_652, %get3A_653] {strides = array<i32>} : memref<256x128xf32, #tpu.memory_space<vmem>>, vector<16xf32>,
        %add3A_655 = arith.constant 32 : i32
        %add3A_656 = vector.broadcast %add3A_655 : i32 to vector<16xi32>
        %add3A_657 = arith.addi %add3A_628, %add3A_656 : vector<16xi32>
        %mul3A_658 = arith.mulf %get3A_654, %broadcast_in_dim3A_631 : vector<16xf32>
        tpu.vector_store_idx %arg9[%add3A_657], %mul3A_658 {add = true} : memref<9216xf32, #tpu.memory_space<vmem>>[vector<16xi32>], vector<16xf32>,
        %add3A_659 = arith.constant 7 : i32
        %add3A_660 = arith.addi %mul3A_33, %add3A_659 : i32
        %get3A_661 = arith.index_cast %add3A_660 : i32 to index
        %get3A_662 = arith.constant 48 : index
        %get3A_663 = tpu.vector_load %arg6[%get3A_661, %get3A_662] {strides = array<i32>} : memref<256x128xf32, #tpu.memory_space<vmem>>, vector<16xf32>,
        %add3A_664 = arith.constant 48 : i32
        %add3A_665 = vector.broadcast %add3A_664 : i32 to vector<16xi32>
        %add3A_666 = arith.addi %add3A_628, %add3A_665 : vector<16xi32>
        %mul3A_667 = arith.mulf %get3A_663, %broadcast_in_dim3A_631 : vector<16xf32>
        tpu.vector_store_idx %arg9[%add3A_666], %mul3A_667 {add = true} : memref<9216xf32, #tpu.memory_space<vmem>>[vector<16xi32>], vector<16xf32>,
        %add3A_668 = arith.constant 7 : i32
        %add3A_669 = arith.addi %mul3A_33, %add3A_668 : i32
        %get3A_670 = arith.index_cast %add3A_669 : i32 to index
        %get3A_671 = arith.constant 64 : index
        %get3A_672 = tpu.vector_load %arg6[%get3A_670, %get3A_671] {strides = array<i32>} : memref<256x128xf32, #tpu.memory_space<vmem>>, vector<16xf32>,
        %add3A_673 = arith.constant 64 : i32
        %add3A_674 = vector.broadcast %add3A_673 : i32 to vector<16xi32>
        %add3A_675 = arith.addi %add3A_628, %add3A_674 : vector<16xi32>
        %mul3A_676 = arith.mulf %get3A_672, %broadcast_in_dim3A_631 : vector<16xf32>
        tpu.vector_store_idx %arg9[%add3A_675], %mul3A_676 {add = true} : memref<9216xf32, #tpu.memory_space<vmem>>[vector<16xi32>], vector<16xf32>,
        %add3A_677 = arith.constant 7 : i32
        %add3A_678 = arith.addi %mul3A_33, %add3A_677 : i32
        %get3A_679 = arith.index_cast %add3A_678 : i32 to index
        %get3A_680 = arith.constant 80 : index
        %get3A_681 = tpu.vector_load %arg6[%get3A_679, %get3A_680] {strides = array<i32>} : memref<256x128xf32, #tpu.memory_space<vmem>>, vector<16xf32>,
        %add3A_682 = arith.constant 80 : i32
        %add3A_683 = vector.broadcast %add3A_682 : i32 to vector<16xi32>
        %add3A_684 = arith.addi %add3A_628, %add3A_683 : vector<16xi32>
        %mul3A_685 = arith.mulf %get3A_681, %broadcast_in_dim3A_631 : vector<16xf32>
        tpu.vector_store_idx %arg9[%add3A_684], %mul3A_685 {add = true} : memref<9216xf32, #tpu.memory_space<vmem>>[vector<16xi32>], vector<16xf32>,
        %add3A_686 = arith.constant 7 : i32
        %add3A_687 = arith.addi %mul3A_33, %add3A_686 : i32
        %get3A_688 = arith.index_cast %add3A_687 : i32 to index
        %get3A_689 = arith.constant 96 : index
        %get3A_690 = tpu.vector_load %arg6[%get3A_688, %get3A_689] {strides = array<i32>} : memref<256x128xf32, #tpu.memory_space<vmem>>, vector<16xf32>,
        %add3A_691 = arith.constant 96 : i32
        %add3A_692 = vector.broadcast %add3A_691 : i32 to vector<16xi32>
        %add3A_693 = arith.addi %add3A_628, %add3A_692 : vector<16xi32>
        %mul3A_694 = arith.mulf %get3A_690, %broadcast_in_dim3A_631 : vector<16xf32>
        tpu.vector_store_idx %arg9[%add3A_693], %mul3A_694 {add = true} : memref<9216xf32, #tpu.memory_space<vmem>>[vector<16xi32>], vector<16xf32>,
        %add3A_695 = arith.constant 7 : i32
        %add3A_696 = arith.addi %mul3A_33, %add3A_695 : i32
        %get3A_697 = arith.index_cast %add3A_696 : i32 to index
        %get3A_698 = arith.constant 112 : index
        %get3A_699 = tpu.vector_load %arg6[%get3A_697, %get3A_698] {strides = array<i32>} : memref<256x128xf32, #tpu.memory_space<vmem>>, vector<16xf32>,
        %add3A_700 = arith.constant 112 : i32
        %add3A_701 = vector.broadcast %add3A_700 : i32 to vector<16xi32>
        %add3A_702 = arith.addi %add3A_628, %add3A_701 : vector<16xi32>
        %mul3A_703 = arith.mulf %get3A_699, %broadcast_in_dim3A_631 : vector<16xf32>
        tpu.vector_store_idx %arg9[%add3A_702], %mul3A_703 {add = true} : memref<9216xf32, #tpu.memory_space<vmem>>[vector<16xi32>], vector<16xf32>,
        %add3A_704 = arith.constant 128 : i32
        %add3A_705 = vector.broadcast %add3A_704 : i32 to vector<16xi32>
        %add3A_706 = arith.addi %add3A_628, %add3A_705 : vector<16xi32>
        tpu.vector_store_idx %arg9[%add3A_706], %broadcast_in_dim3A_631 {add = true} : memref<9216xf32, #tpu.memory_space<vmem>>[vector<16xi32>], vector<16xf32>,
        %slice3A_707 = vector.extract_strided_slice %get3A_34 {offsets = [8], sizes = [1], strides = [1]} : vector<16xi32> to vector<1xi32>
        %squeeze3A_708 = vector.extract %slice3A_707[0] : i32 from vector<1xi32>
        %mul3A_709 = arith.constant 144 : i32
        %mul3A_710 = arith.muli %squeeze3A_708, %mul3A_709 : i32
        %broadcast_in_dim3A_711 = vector.broadcast %mul3A_710 : i32 to vector<16xi32>
        %add3A_712 = arith.addi %broadcast_in_dim3A_711, %iota3A : vector<16xi32>
        %slice3A_713 = vector.extract_strided_slice %get3A_36 {offsets = [8], sizes = [1], strides = [1]} : vector<16xf32> to vector<1xf32>
        %squeeze3A_714 = vector.extract %slice3A_713[0] : f32 from vector<1xf32>
        %broadcast_in_dim3A_715 = vector.broadcast %squeeze3A_714 : f32 to vector<16xf32>
        %add3A_716 = arith.constant 8 : i32
        %add3A_717 = arith.addi %mul3A_33, %add3A_716 : i32
        %get3A_718 = arith.index_cast %add3A_717 : i32 to index
        %get3A_719 = arith.constant 0 : index
        %get3A_720 = tpu.vector_load %arg6[%get3A_718, %get3A_719] {strides = array<i32>} : memref<256x128xf32, #tpu.memory_space<vmem>>, vector<16xf32>,
        %add3A_721 = arith.constant 0 : i32
        %add3A_722 = vector.broadcast %add3A_721 : i32 to vector<16xi32>
        %add3A_723 = arith.addi %add3A_712, %add3A_722 : vector<16xi32>
        %mul3A_724 = arith.mulf %get3A_720, %broadcast_in_dim3A_715 : vector<16xf32>
        tpu.vector_store_idx %arg9[%add3A_723], %mul3A_724 {add = true} : memref<9216xf32, #tpu.memory_space<vmem>>[vector<16xi32>], vector<16xf32>,
        %add3A_725 = arith.constant 8 : i32
        %add3A_726 = arith.addi %mul3A_33, %add3A_725 : i32
        %get3A_727 = arith.index_cast %add3A_726 : i32 to index
        %get3A_728 = arith.constant 16 : index
        %get3A_729 = tpu.vector_load %arg6[%get3A_727, %get3A_728] {strides = array<i32>} : memref<256x128xf32, #tpu.memory_space<vmem>>, vector<16xf32>,
        %add3A_730 = arith.constant 16 : i32
        %add3A_731 = vector.broadcast %add3A_730 : i32 to vector<16xi32>
        %add3A_732 = arith.addi %add3A_712, %add3A_731 : vector<16xi32>
        %mul3A_733 = arith.mulf %get3A_729, %broadcast_in_dim3A_715 : vector<16xf32>
        tpu.vector_store_idx %arg9[%add3A_732], %mul3A_733 {add = true} : memref<9216xf32, #tpu.memory_space<vmem>>[vector<16xi32>], vector<16xf32>,
        %add3A_734 = arith.constant 8 : i32
        %add3A_735 = arith.addi %mul3A_33, %add3A_734 : i32
        %get3A_736 = arith.index_cast %add3A_735 : i32 to index
        %get3A_737 = arith.constant 32 : index
        %get3A_738 = tpu.vector_load %arg6[%get3A_736, %get3A_737] {strides = array<i32>} : memref<256x128xf32, #tpu.memory_space<vmem>>, vector<16xf32>,
        %add3A_739 = arith.constant 32 : i32
        %add3A_740 = vector.broadcast %add3A_739 : i32 to vector<16xi32>
        %add3A_741 = arith.addi %add3A_712, %add3A_740 : vector<16xi32>
        %mul3A_742 = arith.mulf %get3A_738, %broadcast_in_dim3A_715 : vector<16xf32>
        tpu.vector_store_idx %arg9[%add3A_741], %mul3A_742 {add = true} : memref<9216xf32, #tpu.memory_space<vmem>>[vector<16xi32>], vector<16xf32>,
        %add3A_743 = arith.constant 8 : i32
        %add3A_744 = arith.addi %mul3A_33, %add3A_743 : i32
        %get3A_745 = arith.index_cast %add3A_744 : i32 to index
        %get3A_746 = arith.constant 48 : index
        %get3A_747 = tpu.vector_load %arg6[%get3A_745, %get3A_746] {strides = array<i32>} : memref<256x128xf32, #tpu.memory_space<vmem>>, vector<16xf32>,
        %add3A_748 = arith.constant 48 : i32
        %add3A_749 = vector.broadcast %add3A_748 : i32 to vector<16xi32>
        %add3A_750 = arith.addi %add3A_712, %add3A_749 : vector<16xi32>
        %mul3A_751 = arith.mulf %get3A_747, %broadcast_in_dim3A_715 : vector<16xf32>
        tpu.vector_store_idx %arg9[%add3A_750], %mul3A_751 {add = true} : memref<9216xf32, #tpu.memory_space<vmem>>[vector<16xi32>], vector<16xf32>,
        %add3A_752 = arith.constant 8 : i32
        %add3A_753 = arith.addi %mul3A_33, %add3A_752 : i32
        %get3A_754 = arith.index_cast %add3A_753 : i32 to index
        %get3A_755 = arith.constant 64 : index
        %get3A_756 = tpu.vector_load %arg6[%get3A_754, %get3A_755] {strides = array<i32>} : memref<256x128xf32, #tpu.memory_space<vmem>>, vector<16xf32>,
        %add3A_757 = arith.constant 64 : i32
        %add3A_758 = vector.broadcast %add3A_757 : i32 to vector<16xi32>
        %add3A_759 = arith.addi %add3A_712, %add3A_758 : vector<16xi32>
        %mul3A_760 = arith.mulf %get3A_756, %broadcast_in_dim3A_715 : vector<16xf32>
        tpu.vector_store_idx %arg9[%add3A_759], %mul3A_760 {add = true} : memref<9216xf32, #tpu.memory_space<vmem>>[vector<16xi32>], vector<16xf32>,
        %add3A_761 = arith.constant 8 : i32
        %add3A_762 = arith.addi %mul3A_33, %add3A_761 : i32
        %get3A_763 = arith.index_cast %add3A_762 : i32 to index
        %get3A_764 = arith.constant 80 : index
        %get3A_765 = tpu.vector_load %arg6[%get3A_763, %get3A_764] {strides = array<i32>} : memref<256x128xf32, #tpu.memory_space<vmem>>, vector<16xf32>,
        %add3A_766 = arith.constant 80 : i32
        %add3A_767 = vector.broadcast %add3A_766 : i32 to vector<16xi32>
        %add3A_768 = arith.addi %add3A_712, %add3A_767 : vector<16xi32>
        %mul3A_769 = arith.mulf %get3A_765, %broadcast_in_dim3A_715 : vector<16xf32>
        tpu.vector_store_idx %arg9[%add3A_768], %mul3A_769 {add = true} : memref<9216xf32, #tpu.memory_space<vmem>>[vector<16xi32>], vector<16xf32>,
        %add3A_770 = arith.constant 8 : i32
        %add3A_771 = arith.addi %mul3A_33, %add3A_770 : i32
        %get3A_772 = arith.index_cast %add3A_771 : i32 to index
        %get3A_773 = arith.constant 96 : index
        %get3A_774 = tpu.vector_load %arg6[%get3A_772, %get3A_773] {strides = array<i32>} : memref<256x128xf32, #tpu.memory_space<vmem>>, vector<16xf32>,
        %add3A_775 = arith.constant 96 : i32
        %add3A_776 = vector.broadcast %add3A_775 : i32 to vector<16xi32>
        %add3A_777 = arith.addi %add3A_712, %add3A_776 : vector<16xi32>
        %mul3A_778 = arith.mulf %get3A_774, %broadcast_in_dim3A_715 : vector<16xf32>
        tpu.vector_store_idx %arg9[%add3A_777], %mul3A_778 {add = true} : memref<9216xf32, #tpu.memory_space<vmem>>[vector<16xi32>], vector<16xf32>,
        %add3A_779 = arith.constant 8 : i32
        %add3A_780 = arith.addi %mul3A_33, %add3A_779 : i32
        %get3A_781 = arith.index_cast %add3A_780 : i32 to index
        %get3A_782 = arith.constant 112 : index
        %get3A_783 = tpu.vector_load %arg6[%get3A_781, %get3A_782] {strides = array<i32>} : memref<256x128xf32, #tpu.memory_space<vmem>>, vector<16xf32>,
        %add3A_784 = arith.constant 112 : i32
        %add3A_785 = vector.broadcast %add3A_784 : i32 to vector<16xi32>
        %add3A_786 = arith.addi %add3A_712, %add3A_785 : vector<16xi32>
        %mul3A_787 = arith.mulf %get3A_783, %broadcast_in_dim3A_715 : vector<16xf32>
        tpu.vector_store_idx %arg9[%add3A_786], %mul3A_787 {add = true} : memref<9216xf32, #tpu.memory_space<vmem>>[vector<16xi32>], vector<16xf32>,
        %add3A_788 = arith.constant 128 : i32
        %add3A_789 = vector.broadcast %add3A_788 : i32 to vector<16xi32>
        %add3A_790 = arith.addi %add3A_712, %add3A_789 : vector<16xi32>
        tpu.vector_store_idx %arg9[%add3A_790], %broadcast_in_dim3A_715 {add = true} : memref<9216xf32, #tpu.memory_space<vmem>>[vector<16xi32>], vector<16xf32>,
        %slice3A_791 = vector.extract_strided_slice %get3A_34 {offsets = [9], sizes = [1], strides = [1]} : vector<16xi32> to vector<1xi32>
        %squeeze3A_792 = vector.extract %slice3A_791[0] : i32 from vector<1xi32>
        %mul3A_793 = arith.constant 144 : i32
        %mul3A_794 = arith.muli %squeeze3A_792, %mul3A_793 : i32
        %broadcast_in_dim3A_795 = vector.broadcast %mul3A_794 : i32 to vector<16xi32>
        %add3A_796 = arith.addi %broadcast_in_dim3A_795, %iota3A : vector<16xi32>
        %slice3A_797 = vector.extract_strided_slice %get3A_36 {offsets = [9], sizes = [1], strides = [1]} : vector<16xf32> to vector<1xf32>
        %squeeze3A_798 = vector.extract %slice3A_797[0] : f32 from vector<1xf32>
        %broadcast_in_dim3A_799 = vector.broadcast %squeeze3A_798 : f32 to vector<16xf32>
        %add3A_800 = arith.constant 9 : i32
        %add3A_801 = arith.addi %mul3A_33, %add3A_800 : i32
        %get3A_802 = arith.index_cast %add3A_801 : i32 to index
        %get3A_803 = arith.constant 0 : index
        %get3A_804 = tpu.vector_load %arg6[%get3A_802, %get3A_803] {strides = array<i32>} : memref<256x128xf32, #tpu.memory_space<vmem>>, vector<16xf32>,
        %add3A_805 = arith.constant 0 : i32
        %add3A_806 = vector.broadcast %add3A_805 : i32 to vector<16xi32>
        %add3A_807 = arith.addi %add3A_796, %add3A_806 : vector<16xi32>
        %mul3A_808 = arith.mulf %get3A_804, %broadcast_in_dim3A_799 : vector<16xf32>
        tpu.vector_store_idx %arg9[%add3A_807], %mul3A_808 {add = true} : memref<9216xf32, #tpu.memory_space<vmem>>[vector<16xi32>], vector<16xf32>,
        %add3A_809 = arith.constant 9 : i32
        %add3A_810 = arith.addi %mul3A_33, %add3A_809 : i32
        %get3A_811 = arith.index_cast %add3A_810 : i32 to index
        %get3A_812 = arith.constant 16 : index
        %get3A_813 = tpu.vector_load %arg6[%get3A_811, %get3A_812] {strides = array<i32>} : memref<256x128xf32, #tpu.memory_space<vmem>>, vector<16xf32>,
        %add3A_814 = arith.constant 16 : i32
        %add3A_815 = vector.broadcast %add3A_814 : i32 to vector<16xi32>
        %add3A_816 = arith.addi %add3A_796, %add3A_815 : vector<16xi32>
        %mul3A_817 = arith.mulf %get3A_813, %broadcast_in_dim3A_799 : vector<16xf32>
        tpu.vector_store_idx %arg9[%add3A_816], %mul3A_817 {add = true} : memref<9216xf32, #tpu.memory_space<vmem>>[vector<16xi32>], vector<16xf32>,
        %add3A_818 = arith.constant 9 : i32
        %add3A_819 = arith.addi %mul3A_33, %add3A_818 : i32
        %get3A_820 = arith.index_cast %add3A_819 : i32 to index
        %get3A_821 = arith.constant 32 : index
        %get3A_822 = tpu.vector_load %arg6[%get3A_820, %get3A_821] {strides = array<i32>} : memref<256x128xf32, #tpu.memory_space<vmem>>, vector<16xf32>,
        %add3A_823 = arith.constant 32 : i32
        %add3A_824 = vector.broadcast %add3A_823 : i32 to vector<16xi32>
        %add3A_825 = arith.addi %add3A_796, %add3A_824 : vector<16xi32>
        %mul3A_826 = arith.mulf %get3A_822, %broadcast_in_dim3A_799 : vector<16xf32>
        tpu.vector_store_idx %arg9[%add3A_825], %mul3A_826 {add = true} : memref<9216xf32, #tpu.memory_space<vmem>>[vector<16xi32>], vector<16xf32>,
        %add3A_827 = arith.constant 9 : i32
        %add3A_828 = arith.addi %mul3A_33, %add3A_827 : i32
        %get3A_829 = arith.index_cast %add3A_828 : i32 to index
        %get3A_830 = arith.constant 48 : index
        %get3A_831 = tpu.vector_load %arg6[%get3A_829, %get3A_830] {strides = array<i32>} : memref<256x128xf32, #tpu.memory_space<vmem>>, vector<16xf32>,
        %add3A_832 = arith.constant 48 : i32
        %add3A_833 = vector.broadcast %add3A_832 : i32 to vector<16xi32>
        %add3A_834 = arith.addi %add3A_796, %add3A_833 : vector<16xi32>
        %mul3A_835 = arith.mulf %get3A_831, %broadcast_in_dim3A_799 : vector<16xf32>
        tpu.vector_store_idx %arg9[%add3A_834], %mul3A_835 {add = true} : memref<9216xf32, #tpu.memory_space<vmem>>[vector<16xi32>], vector<16xf32>,
        %add3A_836 = arith.constant 9 : i32
        %add3A_837 = arith.addi %mul3A_33, %add3A_836 : i32
        %get3A_838 = arith.index_cast %add3A_837 : i32 to index
        %get3A_839 = arith.constant 64 : index
        %get3A_840 = tpu.vector_load %arg6[%get3A_838, %get3A_839] {strides = array<i32>} : memref<256x128xf32, #tpu.memory_space<vmem>>, vector<16xf32>,
        %add3A_841 = arith.constant 64 : i32
        %add3A_842 = vector.broadcast %add3A_841 : i32 to vector<16xi32>
        %add3A_843 = arith.addi %add3A_796, %add3A_842 : vector<16xi32>
        %mul3A_844 = arith.mulf %get3A_840, %broadcast_in_dim3A_799 : vector<16xf32>
        tpu.vector_store_idx %arg9[%add3A_843], %mul3A_844 {add = true} : memref<9216xf32, #tpu.memory_space<vmem>>[vector<16xi32>], vector<16xf32>,
        %add3A_845 = arith.constant 9 : i32
        %add3A_846 = arith.addi %mul3A_33, %add3A_845 : i32
        %get3A_847 = arith.index_cast %add3A_846 : i32 to index
        %get3A_848 = arith.constant 80 : index
        %get3A_849 = tpu.vector_load %arg6[%get3A_847, %get3A_848] {strides = array<i32>} : memref<256x128xf32, #tpu.memory_space<vmem>>, vector<16xf32>,
        %add3A_850 = arith.constant 80 : i32
        %add3A_851 = vector.broadcast %add3A_850 : i32 to vector<16xi32>
        %add3A_852 = arith.addi %add3A_796, %add3A_851 : vector<16xi32>
        %mul3A_853 = arith.mulf %get3A_849, %broadcast_in_dim3A_799 : vector<16xf32>
        tpu.vector_store_idx %arg9[%add3A_852], %mul3A_853 {add = true} : memref<9216xf32, #tpu.memory_space<vmem>>[vector<16xi32>], vector<16xf32>,
        %add3A_854 = arith.constant 9 : i32
        %add3A_855 = arith.addi %mul3A_33, %add3A_854 : i32
        %get3A_856 = arith.index_cast %add3A_855 : i32 to index
        %get3A_857 = arith.constant 96 : index
        %get3A_858 = tpu.vector_load %arg6[%get3A_856, %get3A_857] {strides = array<i32>} : memref<256x128xf32, #tpu.memory_space<vmem>>, vector<16xf32>,
        %add3A_859 = arith.constant 96 : i32
        %add3A_860 = vector.broadcast %add3A_859 : i32 to vector<16xi32>
        %add3A_861 = arith.addi %add3A_796, %add3A_860 : vector<16xi32>
        %mul3A_862 = arith.mulf %get3A_858, %broadcast_in_dim3A_799 : vector<16xf32>
        tpu.vector_store_idx %arg9[%add3A_861], %mul3A_862 {add = true} : memref<9216xf32, #tpu.memory_space<vmem>>[vector<16xi32>], vector<16xf32>,
        %add3A_863 = arith.constant 9 : i32
        %add3A_864 = arith.addi %mul3A_33, %add3A_863 : i32
        %get3A_865 = arith.index_cast %add3A_864 : i32 to index
        %get3A_866 = arith.constant 112 : index
        %get3A_867 = tpu.vector_load %arg6[%get3A_865, %get3A_866] {strides = array<i32>} : memref<256x128xf32, #tpu.memory_space<vmem>>, vector<16xf32>,
        %add3A_868 = arith.constant 112 : i32
        %add3A_869 = vector.broadcast %add3A_868 : i32 to vector<16xi32>
        %add3A_870 = arith.addi %add3A_796, %add3A_869 : vector<16xi32>
        %mul3A_871 = arith.mulf %get3A_867, %broadcast_in_dim3A_799 : vector<16xf32>
        tpu.vector_store_idx %arg9[%add3A_870], %mul3A_871 {add = true} : memref<9216xf32, #tpu.memory_space<vmem>>[vector<16xi32>], vector<16xf32>,
        %add3A_872 = arith.constant 128 : i32
        %add3A_873 = vector.broadcast %add3A_872 : i32 to vector<16xi32>
        %add3A_874 = arith.addi %add3A_796, %add3A_873 : vector<16xi32>
        tpu.vector_store_idx %arg9[%add3A_874], %broadcast_in_dim3A_799 {add = true} : memref<9216xf32, #tpu.memory_space<vmem>>[vector<16xi32>], vector<16xf32>,
        %slice3A_875 = vector.extract_strided_slice %get3A_34 {offsets = [10], sizes = [1], strides = [1]} : vector<16xi32> to vector<1xi32>
        %squeeze3A_876 = vector.extract %slice3A_875[0] : i32 from vector<1xi32>
        %mul3A_877 = arith.constant 144 : i32
        %mul3A_878 = arith.muli %squeeze3A_876, %mul3A_877 : i32
        %broadcast_in_dim3A_879 = vector.broadcast %mul3A_878 : i32 to vector<16xi32>
        %add3A_880 = arith.addi %broadcast_in_dim3A_879, %iota3A : vector<16xi32>
        %slice3A_881 = vector.extract_strided_slice %get3A_36 {offsets = [10], sizes = [1], strides = [1]} : vector<16xf32> to vector<1xf32>
        %squeeze3A_882 = vector.extract %slice3A_881[0] : f32 from vector<1xf32>
        %broadcast_in_dim3A_883 = vector.broadcast %squeeze3A_882 : f32 to vector<16xf32>
        %add3A_884 = arith.constant 10 : i32
        %add3A_885 = arith.addi %mul3A_33, %add3A_884 : i32
        %get3A_886 = arith.index_cast %add3A_885 : i32 to index
        %get3A_887 = arith.constant 0 : index
        %get3A_888 = tpu.vector_load %arg6[%get3A_886, %get3A_887] {strides = array<i32>} : memref<256x128xf32, #tpu.memory_space<vmem>>, vector<16xf32>,
        %add3A_889 = arith.constant 0 : i32
        %add3A_890 = vector.broadcast %add3A_889 : i32 to vector<16xi32>
        %add3A_891 = arith.addi %add3A_880, %add3A_890 : vector<16xi32>
        %mul3A_892 = arith.mulf %get3A_888, %broadcast_in_dim3A_883 : vector<16xf32>
        tpu.vector_store_idx %arg9[%add3A_891], %mul3A_892 {add = true} : memref<9216xf32, #tpu.memory_space<vmem>>[vector<16xi32>], vector<16xf32>,
        %add3A_893 = arith.constant 10 : i32
        %add3A_894 = arith.addi %mul3A_33, %add3A_893 : i32
        %get3A_895 = arith.index_cast %add3A_894 : i32 to index
        %get3A_896 = arith.constant 16 : index
        %get3A_897 = tpu.vector_load %arg6[%get3A_895, %get3A_896] {strides = array<i32>} : memref<256x128xf32, #tpu.memory_space<vmem>>, vector<16xf32>,
        %add3A_898 = arith.constant 16 : i32
        %add3A_899 = vector.broadcast %add3A_898 : i32 to vector<16xi32>
        %add3A_900 = arith.addi %add3A_880, %add3A_899 : vector<16xi32>
        %mul3A_901 = arith.mulf %get3A_897, %broadcast_in_dim3A_883 : vector<16xf32>
        tpu.vector_store_idx %arg9[%add3A_900], %mul3A_901 {add = true} : memref<9216xf32, #tpu.memory_space<vmem>>[vector<16xi32>], vector<16xf32>,
        %add3A_902 = arith.constant 10 : i32
        %add3A_903 = arith.addi %mul3A_33, %add3A_902 : i32
        %get3A_904 = arith.index_cast %add3A_903 : i32 to index
        %get3A_905 = arith.constant 32 : index
        %get3A_906 = tpu.vector_load %arg6[%get3A_904, %get3A_905] {strides = array<i32>} : memref<256x128xf32, #tpu.memory_space<vmem>>, vector<16xf32>,
        %add3A_907 = arith.constant 32 : i32
        %add3A_908 = vector.broadcast %add3A_907 : i32 to vector<16xi32>
        %add3A_909 = arith.addi %add3A_880, %add3A_908 : vector<16xi32>
        %mul3A_910 = arith.mulf %get3A_906, %broadcast_in_dim3A_883 : vector<16xf32>
        tpu.vector_store_idx %arg9[%add3A_909], %mul3A_910 {add = true} : memref<9216xf32, #tpu.memory_space<vmem>>[vector<16xi32>], vector<16xf32>,
        %add3A_911 = arith.constant 10 : i32
        %add3A_912 = arith.addi %mul3A_33, %add3A_911 : i32
        %get3A_913 = arith.index_cast %add3A_912 : i32 to index
        %get3A_914 = arith.constant 48 : index
        %get3A_915 = tpu.vector_load %arg6[%get3A_913, %get3A_914] {strides = array<i32>} : memref<256x128xf32, #tpu.memory_space<vmem>>, vector<16xf32>,
        %add3A_916 = arith.constant 48 : i32
        %add3A_917 = vector.broadcast %add3A_916 : i32 to vector<16xi32>
        %add3A_918 = arith.addi %add3A_880, %add3A_917 : vector<16xi32>
        %mul3A_919 = arith.mulf %get3A_915, %broadcast_in_dim3A_883 : vector<16xf32>
        tpu.vector_store_idx %arg9[%add3A_918], %mul3A_919 {add = true} : memref<9216xf32, #tpu.memory_space<vmem>>[vector<16xi32>], vector<16xf32>,
        %add3A_920 = arith.constant 10 : i32
        %add3A_921 = arith.addi %mul3A_33, %add3A_920 : i32
        %get3A_922 = arith.index_cast %add3A_921 : i32 to index
        %get3A_923 = arith.constant 64 : index
        %get3A_924 = tpu.vector_load %arg6[%get3A_922, %get3A_923] {strides = array<i32>} : memref<256x128xf32, #tpu.memory_space<vmem>>, vector<16xf32>,
        %add3A_925 = arith.constant 64 : i32
        %add3A_926 = vector.broadcast %add3A_925 : i32 to vector<16xi32>
        %add3A_927 = arith.addi %add3A_880, %add3A_926 : vector<16xi32>
        %mul3A_928 = arith.mulf %get3A_924, %broadcast_in_dim3A_883 : vector<16xf32>
        tpu.vector_store_idx %arg9[%add3A_927], %mul3A_928 {add = true} : memref<9216xf32, #tpu.memory_space<vmem>>[vector<16xi32>], vector<16xf32>,
        %add3A_929 = arith.constant 10 : i32
        %add3A_930 = arith.addi %mul3A_33, %add3A_929 : i32
        %get3A_931 = arith.index_cast %add3A_930 : i32 to index
        %get3A_932 = arith.constant 80 : index
        %get3A_933 = tpu.vector_load %arg6[%get3A_931, %get3A_932] {strides = array<i32>} : memref<256x128xf32, #tpu.memory_space<vmem>>, vector<16xf32>,
        %add3A_934 = arith.constant 80 : i32
        %add3A_935 = vector.broadcast %add3A_934 : i32 to vector<16xi32>
        %add3A_936 = arith.addi %add3A_880, %add3A_935 : vector<16xi32>
        %mul3A_937 = arith.mulf %get3A_933, %broadcast_in_dim3A_883 : vector<16xf32>
        tpu.vector_store_idx %arg9[%add3A_936], %mul3A_937 {add = true} : memref<9216xf32, #tpu.memory_space<vmem>>[vector<16xi32>], vector<16xf32>,
        %add3A_938 = arith.constant 10 : i32
        %add3A_939 = arith.addi %mul3A_33, %add3A_938 : i32
        %get3A_940 = arith.index_cast %add3A_939 : i32 to index
        %get3A_941 = arith.constant 96 : index
        %get3A_942 = tpu.vector_load %arg6[%get3A_940, %get3A_941] {strides = array<i32>} : memref<256x128xf32, #tpu.memory_space<vmem>>, vector<16xf32>,
        %add3A_943 = arith.constant 96 : i32
        %add3A_944 = vector.broadcast %add3A_943 : i32 to vector<16xi32>
        %add3A_945 = arith.addi %add3A_880, %add3A_944 : vector<16xi32>
        %mul3A_946 = arith.mulf %get3A_942, %broadcast_in_dim3A_883 : vector<16xf32>
        tpu.vector_store_idx %arg9[%add3A_945], %mul3A_946 {add = true} : memref<9216xf32, #tpu.memory_space<vmem>>[vector<16xi32>], vector<16xf32>,
        %add3A_947 = arith.constant 10 : i32
        %add3A_948 = arith.addi %mul3A_33, %add3A_947 : i32
        %get3A_949 = arith.index_cast %add3A_948 : i32 to index
        %get3A_950 = arith.constant 112 : index
        %get3A_951 = tpu.vector_load %arg6[%get3A_949, %get3A_950] {strides = array<i32>} : memref<256x128xf32, #tpu.memory_space<vmem>>, vector<16xf32>,
        %add3A_952 = arith.constant 112 : i32
        %add3A_953 = vector.broadcast %add3A_952 : i32 to vector<16xi32>
        %add3A_954 = arith.addi %add3A_880, %add3A_953 : vector<16xi32>
        %mul3A_955 = arith.mulf %get3A_951, %broadcast_in_dim3A_883 : vector<16xf32>
        tpu.vector_store_idx %arg9[%add3A_954], %mul3A_955 {add = true} : memref<9216xf32, #tpu.memory_space<vmem>>[vector<16xi32>], vector<16xf32>,
        %add3A_956 = arith.constant 128 : i32
        %add3A_957 = vector.broadcast %add3A_956 : i32 to vector<16xi32>
        %add3A_958 = arith.addi %add3A_880, %add3A_957 : vector<16xi32>
        tpu.vector_store_idx %arg9[%add3A_958], %broadcast_in_dim3A_883 {add = true} : memref<9216xf32, #tpu.memory_space<vmem>>[vector<16xi32>], vector<16xf32>,
        %slice3A_959 = vector.extract_strided_slice %get3A_34 {offsets = [11], sizes = [1], strides = [1]} : vector<16xi32> to vector<1xi32>
        %squeeze3A_960 = vector.extract %slice3A_959[0] : i32 from vector<1xi32>
        %mul3A_961 = arith.constant 144 : i32
        %mul3A_962 = arith.muli %squeeze3A_960, %mul3A_961 : i32
        %broadcast_in_dim3A_963 = vector.broadcast %mul3A_962 : i32 to vector<16xi32>
        %add3A_964 = arith.addi %broadcast_in_dim3A_963, %iota3A : vector<16xi32>
        %slice3A_965 = vector.extract_strided_slice %get3A_36 {offsets = [11], sizes = [1], strides = [1]} : vector<16xf32> to vector<1xf32>
        %squeeze3A_966 = vector.extract %slice3A_965[0] : f32 from vector<1xf32>
        %broadcast_in_dim3A_967 = vector.broadcast %squeeze3A_966 : f32 to vector<16xf32>
        %add3A_968 = arith.constant 11 : i32
        %add3A_969 = arith.addi %mul3A_33, %add3A_968 : i32
        %get3A_970 = arith.index_cast %add3A_969 : i32 to index
        %get3A_971 = arith.constant 0 : index
        %get3A_972 = tpu.vector_load %arg6[%get3A_970, %get3A_971] {strides = array<i32>} : memref<256x128xf32, #tpu.memory_space<vmem>>, vector<16xf32>,
        %add3A_973 = arith.constant 0 : i32
        %add3A_974 = vector.broadcast %add3A_973 : i32 to vector<16xi32>
        %add3A_975 = arith.addi %add3A_964, %add3A_974 : vector<16xi32>
        %mul3A_976 = arith.mulf %get3A_972, %broadcast_in_dim3A_967 : vector<16xf32>
        tpu.vector_store_idx %arg9[%add3A_975], %mul3A_976 {add = true} : memref<9216xf32, #tpu.memory_space<vmem>>[vector<16xi32>], vector<16xf32>,
        %add3A_977 = arith.constant 11 : i32
        %add3A_978 = arith.addi %mul3A_33, %add3A_977 : i32
        %get3A_979 = arith.index_cast %add3A_978 : i32 to index
        %get3A_980 = arith.constant 16 : index
        %get3A_981 = tpu.vector_load %arg6[%get3A_979, %get3A_980] {strides = array<i32>} : memref<256x128xf32, #tpu.memory_space<vmem>>, vector<16xf32>,
        %add3A_982 = arith.constant 16 : i32
        %add3A_983 = vector.broadcast %add3A_982 : i32 to vector<16xi32>
        %add3A_984 = arith.addi %add3A_964, %add3A_983 : vector<16xi32>
        %mul3A_985 = arith.mulf %get3A_981, %broadcast_in_dim3A_967 : vector<16xf32>
        tpu.vector_store_idx %arg9[%add3A_984], %mul3A_985 {add = true} : memref<9216xf32, #tpu.memory_space<vmem>>[vector<16xi32>], vector<16xf32>,
        %add3A_986 = arith.constant 11 : i32
        %add3A_987 = arith.addi %mul3A_33, %add3A_986 : i32
        %get3A_988 = arith.index_cast %add3A_987 : i32 to index
        %get3A_989 = arith.constant 32 : index
        %get3A_990 = tpu.vector_load %arg6[%get3A_988, %get3A_989] {strides = array<i32>} : memref<256x128xf32, #tpu.memory_space<vmem>>, vector<16xf32>,
        %add3A_991 = arith.constant 32 : i32
        %add3A_992 = vector.broadcast %add3A_991 : i32 to vector<16xi32>
        %add3A_993 = arith.addi %add3A_964, %add3A_992 : vector<16xi32>
        %mul3A_994 = arith.mulf %get3A_990, %broadcast_in_dim3A_967 : vector<16xf32>
        tpu.vector_store_idx %arg9[%add3A_993], %mul3A_994 {add = true} : memref<9216xf32, #tpu.memory_space<vmem>>[vector<16xi32>], vector<16xf32>,
        %add3A_995 = arith.constant 11 : i32
        %add3A_996 = arith.addi %mul3A_33, %add3A_995 : i32
        %get3A_997 = arith.index_cast %add3A_996 : i32 to index
        %get3A_998 = arith.constant 48 : index
        %get3A_999 = tpu.vector_load %arg6[%get3A_997, %get3A_998] {strides = array<i32>} : memref<256x128xf32, #tpu.memory_space<vmem>>, vector<16xf32>,
        %add3A_1000 = arith.constant 48 : i32
        %add3A_1001 = vector.broadcast %add3A_1000 : i32 to vector<16xi32>
        %add3A_1002 = arith.addi %add3A_964, %add3A_1001 : vector<16xi32>
        %mul3A_1003 = arith.mulf %get3A_999, %broadcast_in_dim3A_967 : vector<16xf32>
        tpu.vector_store_idx %arg9[%add3A_1002], %mul3A_1003 {add = true} : memref<9216xf32, #tpu.memory_space<vmem>>[vector<16xi32>], vector<16xf32>,
        %add3A_1004 = arith.constant 11 : i32
        %add3A_1005 = arith.addi %mul3A_33, %add3A_1004 : i32
        %get3A_1006 = arith.index_cast %add3A_1005 : i32 to index
        %get3A_1007 = arith.constant 64 : index
        %get3A_1008 = tpu.vector_load %arg6[%get3A_1006, %get3A_1007] {strides = array<i32>} : memref<256x128xf32, #tpu.memory_space<vmem>>, vector<16xf32>,
        %add3A_1009 = arith.constant 64 : i32
        %add3A_1010 = vector.broadcast %add3A_1009 : i32 to vector<16xi32>
        %add3A_1011 = arith.addi %add3A_964, %add3A_1010 : vector<16xi32>
        %mul3A_1012 = arith.mulf %get3A_1008, %broadcast_in_dim3A_967 : vector<16xf32>
        tpu.vector_store_idx %arg9[%add3A_1011], %mul3A_1012 {add = true} : memref<9216xf32, #tpu.memory_space<vmem>>[vector<16xi32>], vector<16xf32>,
        %add3A_1013 = arith.constant 11 : i32
        %add3A_1014 = arith.addi %mul3A_33, %add3A_1013 : i32
        %get3A_1015 = arith.index_cast %add3A_1014 : i32 to index
        %get3A_1016 = arith.constant 80 : index
        %get3A_1017 = tpu.vector_load %arg6[%get3A_1015, %get3A_1016] {strides = array<i32>} : memref<256x128xf32, #tpu.memory_space<vmem>>, vector<16xf32>,
        %add3A_1018 = arith.constant 80 : i32
        %add3A_1019 = vector.broadcast %add3A_1018 : i32 to vector<16xi32>
        %add3A_1020 = arith.addi %add3A_964, %add3A_1019 : vector<16xi32>
        %mul3A_1021 = arith.mulf %get3A_1017, %broadcast_in_dim3A_967 : vector<16xf32>
        tpu.vector_store_idx %arg9[%add3A_1020], %mul3A_1021 {add = true} : memref<9216xf32, #tpu.memory_space<vmem>>[vector<16xi32>], vector<16xf32>,
        %add3A_1022 = arith.constant 11 : i32
        %add3A_1023 = arith.addi %mul3A_33, %add3A_1022 : i32
        %get3A_1024 = arith.index_cast %add3A_1023 : i32 to index
        %get3A_1025 = arith.constant 96 : index
        %get3A_1026 = tpu.vector_load %arg6[%get3A_1024, %get3A_1025] {strides = array<i32>} : memref<256x128xf32, #tpu.memory_space<vmem>>, vector<16xf32>,
        %add3A_1027 = arith.constant 96 : i32
        %add3A_1028 = vector.broadcast %add3A_1027 : i32 to vector<16xi32>
        %add3A_1029 = arith.addi %add3A_964, %add3A_1028 : vector<16xi32>
        %mul3A_1030 = arith.mulf %get3A_1026, %broadcast_in_dim3A_967 : vector<16xf32>
        tpu.vector_store_idx %arg9[%add3A_1029], %mul3A_1030 {add = true} : memref<9216xf32, #tpu.memory_space<vmem>>[vector<16xi32>], vector<16xf32>,
        %add3A_1031 = arith.constant 11 : i32
        %add3A_1032 = arith.addi %mul3A_33, %add3A_1031 : i32
        %get3A_1033 = arith.index_cast %add3A_1032 : i32 to index
        %get3A_1034 = arith.constant 112 : index
        %get3A_1035 = tpu.vector_load %arg6[%get3A_1033, %get3A_1034] {strides = array<i32>} : memref<256x128xf32, #tpu.memory_space<vmem>>, vector<16xf32>,
        %add3A_1036 = arith.constant 112 : i32
        %add3A_1037 = vector.broadcast %add3A_1036 : i32 to vector<16xi32>
        %add3A_1038 = arith.addi %add3A_964, %add3A_1037 : vector<16xi32>
        %mul3A_1039 = arith.mulf %get3A_1035, %broadcast_in_dim3A_967 : vector<16xf32>
        tpu.vector_store_idx %arg9[%add3A_1038], %mul3A_1039 {add = true} : memref<9216xf32, #tpu.memory_space<vmem>>[vector<16xi32>], vector<16xf32>,
        %add3A_1040 = arith.constant 128 : i32
        %add3A_1041 = vector.broadcast %add3A_1040 : i32 to vector<16xi32>
        %add3A_1042 = arith.addi %add3A_964, %add3A_1041 : vector<16xi32>
        tpu.vector_store_idx %arg9[%add3A_1042], %broadcast_in_dim3A_967 {add = true} : memref<9216xf32, #tpu.memory_space<vmem>>[vector<16xi32>], vector<16xf32>,
        %slice3A_1043 = vector.extract_strided_slice %get3A_34 {offsets = [12], sizes = [1], strides = [1]} : vector<16xi32> to vector<1xi32>
        %squeeze3A_1044 = vector.extract %slice3A_1043[0] : i32 from vector<1xi32>
        %mul3A_1045 = arith.constant 144 : i32
        %mul3A_1046 = arith.muli %squeeze3A_1044, %mul3A_1045 : i32
        %broadcast_in_dim3A_1047 = vector.broadcast %mul3A_1046 : i32 to vector<16xi32>
        %add3A_1048 = arith.addi %broadcast_in_dim3A_1047, %iota3A : vector<16xi32>
        %slice3A_1049 = vector.extract_strided_slice %get3A_36 {offsets = [12], sizes = [1], strides = [1]} : vector<16xf32> to vector<1xf32>
        %squeeze3A_1050 = vector.extract %slice3A_1049[0] : f32 from vector<1xf32>
        %broadcast_in_dim3A_1051 = vector.broadcast %squeeze3A_1050 : f32 to vector<16xf32>
        %add3A_1052 = arith.constant 12 : i32
        %add3A_1053 = arith.addi %mul3A_33, %add3A_1052 : i32
        %get3A_1054 = arith.index_cast %add3A_1053 : i32 to index
        %get3A_1055 = arith.constant 0 : index
        %get3A_1056 = tpu.vector_load %arg6[%get3A_1054, %get3A_1055] {strides = array<i32>} : memref<256x128xf32, #tpu.memory_space<vmem>>, vector<16xf32>,
        %add3A_1057 = arith.constant 0 : i32
        %add3A_1058 = vector.broadcast %add3A_1057 : i32 to vector<16xi32>
        %add3A_1059 = arith.addi %add3A_1048, %add3A_1058 : vector<16xi32>
        %mul3A_1060 = arith.mulf %get3A_1056, %broadcast_in_dim3A_1051 : vector<16xf32>
        tpu.vector_store_idx %arg9[%add3A_1059], %mul3A_1060 {add = true} : memref<9216xf32, #tpu.memory_space<vmem>>[vector<16xi32>], vector<16xf32>,
        %add3A_1061 = arith.constant 12 : i32
        %add3A_1062 = arith.addi %mul3A_33, %add3A_1061 : i32
        %get3A_1063 = arith.index_cast %add3A_1062 : i32 to index
        %get3A_1064 = arith.constant 16 : index
        %get3A_1065 = tpu.vector_load %arg6[%get3A_1063, %get3A_1064] {strides = array<i32>} : memref<256x128xf32, #tpu.memory_space<vmem>>, vector<16xf32>,
        %add3A_1066 = arith.constant 16 : i32
        %add3A_1067 = vector.broadcast %add3A_1066 : i32 to vector<16xi32>
        %add3A_1068 = arith.addi %add3A_1048, %add3A_1067 : vector<16xi32>
        %mul3A_1069 = arith.mulf %get3A_1065, %broadcast_in_dim3A_1051 : vector<16xf32>
        tpu.vector_store_idx %arg9[%add3A_1068], %mul3A_1069 {add = true} : memref<9216xf32, #tpu.memory_space<vmem>>[vector<16xi32>], vector<16xf32>,
        %add3A_1070 = arith.constant 12 : i32
        %add3A_1071 = arith.addi %mul3A_33, %add3A_1070 : i32
        %get3A_1072 = arith.index_cast %add3A_1071 : i32 to index
        %get3A_1073 = arith.constant 32 : index
        %get3A_1074 = tpu.vector_load %arg6[%get3A_1072, %get3A_1073] {strides = array<i32>} : memref<256x128xf32, #tpu.memory_space<vmem>>, vector<16xf32>,
        %add3A_1075 = arith.constant 32 : i32
        %add3A_1076 = vector.broadcast %add3A_1075 : i32 to vector<16xi32>
        %add3A_1077 = arith.addi %add3A_1048, %add3A_1076 : vector<16xi32>
        %mul3A_1078 = arith.mulf %get3A_1074, %broadcast_in_dim3A_1051 : vector<16xf32>
        tpu.vector_store_idx %arg9[%add3A_1077], %mul3A_1078 {add = true} : memref<9216xf32, #tpu.memory_space<vmem>>[vector<16xi32>], vector<16xf32>,
        %add3A_1079 = arith.constant 12 : i32
        %add3A_1080 = arith.addi %mul3A_33, %add3A_1079 : i32
        %get3A_1081 = arith.index_cast %add3A_1080 : i32 to index
        %get3A_1082 = arith.constant 48 : index
        %get3A_1083 = tpu.vector_load %arg6[%get3A_1081, %get3A_1082] {strides = array<i32>} : memref<256x128xf32, #tpu.memory_space<vmem>>, vector<16xf32>,
        %add3A_1084 = arith.constant 48 : i32
        %add3A_1085 = vector.broadcast %add3A_1084 : i32 to vector<16xi32>
        %add3A_1086 = arith.addi %add3A_1048, %add3A_1085 : vector<16xi32>
        %mul3A_1087 = arith.mulf %get3A_1083, %broadcast_in_dim3A_1051 : vector<16xf32>
        tpu.vector_store_idx %arg9[%add3A_1086], %mul3A_1087 {add = true} : memref<9216xf32, #tpu.memory_space<vmem>>[vector<16xi32>], vector<16xf32>,
        %add3A_1088 = arith.constant 12 : i32
        %add3A_1089 = arith.addi %mul3A_33, %add3A_1088 : i32
        %get3A_1090 = arith.index_cast %add3A_1089 : i32 to index
        %get3A_1091 = arith.constant 64 : index
        %get3A_1092 = tpu.vector_load %arg6[%get3A_1090, %get3A_1091] {strides = array<i32>} : memref<256x128xf32, #tpu.memory_space<vmem>>, vector<16xf32>,
        %add3A_1093 = arith.constant 64 : i32
        %add3A_1094 = vector.broadcast %add3A_1093 : i32 to vector<16xi32>
        %add3A_1095 = arith.addi %add3A_1048, %add3A_1094 : vector<16xi32>
        %mul3A_1096 = arith.mulf %get3A_1092, %broadcast_in_dim3A_1051 : vector<16xf32>
        tpu.vector_store_idx %arg9[%add3A_1095], %mul3A_1096 {add = true} : memref<9216xf32, #tpu.memory_space<vmem>>[vector<16xi32>], vector<16xf32>,
        %add3A_1097 = arith.constant 12 : i32
        %add3A_1098 = arith.addi %mul3A_33, %add3A_1097 : i32
        %get3A_1099 = arith.index_cast %add3A_1098 : i32 to index
        %get3A_1100 = arith.constant 80 : index
        %get3A_1101 = tpu.vector_load %arg6[%get3A_1099, %get3A_1100] {strides = array<i32>} : memref<256x128xf32, #tpu.memory_space<vmem>>, vector<16xf32>,
        %add3A_1102 = arith.constant 80 : i32
        %add3A_1103 = vector.broadcast %add3A_1102 : i32 to vector<16xi32>
        %add3A_1104 = arith.addi %add3A_1048, %add3A_1103 : vector<16xi32>
        %mul3A_1105 = arith.mulf %get3A_1101, %broadcast_in_dim3A_1051 : vector<16xf32>
        tpu.vector_store_idx %arg9[%add3A_1104], %mul3A_1105 {add = true} : memref<9216xf32, #tpu.memory_space<vmem>>[vector<16xi32>], vector<16xf32>,
        %add3A_1106 = arith.constant 12 : i32
        %add3A_1107 = arith.addi %mul3A_33, %add3A_1106 : i32
        %get3A_1108 = arith.index_cast %add3A_1107 : i32 to index
        %get3A_1109 = arith.constant 96 : index
        %get3A_1110 = tpu.vector_load %arg6[%get3A_1108, %get3A_1109] {strides = array<i32>} : memref<256x128xf32, #tpu.memory_space<vmem>>, vector<16xf32>,
        %add3A_1111 = arith.constant 96 : i32
        %add3A_1112 = vector.broadcast %add3A_1111 : i32 to vector<16xi32>
        %add3A_1113 = arith.addi %add3A_1048, %add3A_1112 : vector<16xi32>
        %mul3A_1114 = arith.mulf %get3A_1110, %broadcast_in_dim3A_1051 : vector<16xf32>
        tpu.vector_store_idx %arg9[%add3A_1113], %mul3A_1114 {add = true} : memref<9216xf32, #tpu.memory_space<vmem>>[vector<16xi32>], vector<16xf32>,
        %add3A_1115 = arith.constant 12 : i32
        %add3A_1116 = arith.addi %mul3A_33, %add3A_1115 : i32
        %get3A_1117 = arith.index_cast %add3A_1116 : i32 to index
        %get3A_1118 = arith.constant 112 : index
        %get3A_1119 = tpu.vector_load %arg6[%get3A_1117, %get3A_1118] {strides = array<i32>} : memref<256x128xf32, #tpu.memory_space<vmem>>, vector<16xf32>,
        %add3A_1120 = arith.constant 112 : i32
        %add3A_1121 = vector.broadcast %add3A_1120 : i32 to vector<16xi32>
        %add3A_1122 = arith.addi %add3A_1048, %add3A_1121 : vector<16xi32>
        %mul3A_1123 = arith.mulf %get3A_1119, %broadcast_in_dim3A_1051 : vector<16xf32>
        tpu.vector_store_idx %arg9[%add3A_1122], %mul3A_1123 {add = true} : memref<9216xf32, #tpu.memory_space<vmem>>[vector<16xi32>], vector<16xf32>,
        %add3A_1124 = arith.constant 128 : i32
        %add3A_1125 = vector.broadcast %add3A_1124 : i32 to vector<16xi32>
        %add3A_1126 = arith.addi %add3A_1048, %add3A_1125 : vector<16xi32>
        tpu.vector_store_idx %arg9[%add3A_1126], %broadcast_in_dim3A_1051 {add = true} : memref<9216xf32, #tpu.memory_space<vmem>>[vector<16xi32>], vector<16xf32>,
        %slice3A_1127 = vector.extract_strided_slice %get3A_34 {offsets = [13], sizes = [1], strides = [1]} : vector<16xi32> to vector<1xi32>
        %squeeze3A_1128 = vector.extract %slice3A_1127[0] : i32 from vector<1xi32>
        %mul3A_1129 = arith.constant 144 : i32
        %mul3A_1130 = arith.muli %squeeze3A_1128, %mul3A_1129 : i32
        %broadcast_in_dim3A_1131 = vector.broadcast %mul3A_1130 : i32 to vector<16xi32>
        %add3A_1132 = arith.addi %broadcast_in_dim3A_1131, %iota3A : vector<16xi32>
        %slice3A_1133 = vector.extract_strided_slice %get3A_36 {offsets = [13], sizes = [1], strides = [1]} : vector<16xf32> to vector<1xf32>
        %squeeze3A_1134 = vector.extract %slice3A_1133[0] : f32 from vector<1xf32>
        %broadcast_in_dim3A_1135 = vector.broadcast %squeeze3A_1134 : f32 to vector<16xf32>
        %add3A_1136 = arith.constant 13 : i32
        %add3A_1137 = arith.addi %mul3A_33, %add3A_1136 : i32
        %get3A_1138 = arith.index_cast %add3A_1137 : i32 to index
        %get3A_1139 = arith.constant 0 : index
        %get3A_1140 = tpu.vector_load %arg6[%get3A_1138, %get3A_1139] {strides = array<i32>} : memref<256x128xf32, #tpu.memory_space<vmem>>, vector<16xf32>,
        %add3A_1141 = arith.constant 0 : i32
        %add3A_1142 = vector.broadcast %add3A_1141 : i32 to vector<16xi32>
        %add3A_1143 = arith.addi %add3A_1132, %add3A_1142 : vector<16xi32>
        %mul3A_1144 = arith.mulf %get3A_1140, %broadcast_in_dim3A_1135 : vector<16xf32>
        tpu.vector_store_idx %arg9[%add3A_1143], %mul3A_1144 {add = true} : memref<9216xf32, #tpu.memory_space<vmem>>[vector<16xi32>], vector<16xf32>,
        %add3A_1145 = arith.constant 13 : i32
        %add3A_1146 = arith.addi %mul3A_33, %add3A_1145 : i32
        %get3A_1147 = arith.index_cast %add3A_1146 : i32 to index
        %get3A_1148 = arith.constant 16 : index
        %get3A_1149 = tpu.vector_load %arg6[%get3A_1147, %get3A_1148] {strides = array<i32>} : memref<256x128xf32, #tpu.memory_space<vmem>>, vector<16xf32>,
        %add3A_1150 = arith.constant 16 : i32
        %add3A_1151 = vector.broadcast %add3A_1150 : i32 to vector<16xi32>
        %add3A_1152 = arith.addi %add3A_1132, %add3A_1151 : vector<16xi32>
        %mul3A_1153 = arith.mulf %get3A_1149, %broadcast_in_dim3A_1135 : vector<16xf32>
        tpu.vector_store_idx %arg9[%add3A_1152], %mul3A_1153 {add = true} : memref<9216xf32, #tpu.memory_space<vmem>>[vector<16xi32>], vector<16xf32>,
        %add3A_1154 = arith.constant 13 : i32
        %add3A_1155 = arith.addi %mul3A_33, %add3A_1154 : i32
        %get3A_1156 = arith.index_cast %add3A_1155 : i32 to index
        %get3A_1157 = arith.constant 32 : index
        %get3A_1158 = tpu.vector_load %arg6[%get3A_1156, %get3A_1157] {strides = array<i32>} : memref<256x128xf32, #tpu.memory_space<vmem>>, vector<16xf32>,
        %add3A_1159 = arith.constant 32 : i32
        %add3A_1160 = vector.broadcast %add3A_1159 : i32 to vector<16xi32>
        %add3A_1161 = arith.addi %add3A_1132, %add3A_1160 : vector<16xi32>
        %mul3A_1162 = arith.mulf %get3A_1158, %broadcast_in_dim3A_1135 : vector<16xf32>
        tpu.vector_store_idx %arg9[%add3A_1161], %mul3A_1162 {add = true} : memref<9216xf32, #tpu.memory_space<vmem>>[vector<16xi32>], vector<16xf32>,
        %add3A_1163 = arith.constant 13 : i32
        %add3A_1164 = arith.addi %mul3A_33, %add3A_1163 : i32
        %get3A_1165 = arith.index_cast %add3A_1164 : i32 to index
        %get3A_1166 = arith.constant 48 : index
        %get3A_1167 = tpu.vector_load %arg6[%get3A_1165, %get3A_1166] {strides = array<i32>} : memref<256x128xf32, #tpu.memory_space<vmem>>, vector<16xf32>,
        %add3A_1168 = arith.constant 48 : i32
        %add3A_1169 = vector.broadcast %add3A_1168 : i32 to vector<16xi32>
        %add3A_1170 = arith.addi %add3A_1132, %add3A_1169 : vector<16xi32>
        %mul3A_1171 = arith.mulf %get3A_1167, %broadcast_in_dim3A_1135 : vector<16xf32>
        tpu.vector_store_idx %arg9[%add3A_1170], %mul3A_1171 {add = true} : memref<9216xf32, #tpu.memory_space<vmem>>[vector<16xi32>], vector<16xf32>,
        %add3A_1172 = arith.constant 13 : i32
        %add3A_1173 = arith.addi %mul3A_33, %add3A_1172 : i32
        %get3A_1174 = arith.index_cast %add3A_1173 : i32 to index
        %get3A_1175 = arith.constant 64 : index
        %get3A_1176 = tpu.vector_load %arg6[%get3A_1174, %get3A_1175] {strides = array<i32>} : memref<256x128xf32, #tpu.memory_space<vmem>>, vector<16xf32>,
        %add3A_1177 = arith.constant 64 : i32
        %add3A_1178 = vector.broadcast %add3A_1177 : i32 to vector<16xi32>
        %add3A_1179 = arith.addi %add3A_1132, %add3A_1178 : vector<16xi32>
        %mul3A_1180 = arith.mulf %get3A_1176, %broadcast_in_dim3A_1135 : vector<16xf32>
        tpu.vector_store_idx %arg9[%add3A_1179], %mul3A_1180 {add = true} : memref<9216xf32, #tpu.memory_space<vmem>>[vector<16xi32>], vector<16xf32>,
        %add3A_1181 = arith.constant 13 : i32
        %add3A_1182 = arith.addi %mul3A_33, %add3A_1181 : i32
        %get3A_1183 = arith.index_cast %add3A_1182 : i32 to index
        %get3A_1184 = arith.constant 80 : index
        %get3A_1185 = tpu.vector_load %arg6[%get3A_1183, %get3A_1184] {strides = array<i32>} : memref<256x128xf32, #tpu.memory_space<vmem>>, vector<16xf32>,
        %add3A_1186 = arith.constant 80 : i32
        %add3A_1187 = vector.broadcast %add3A_1186 : i32 to vector<16xi32>
        %add3A_1188 = arith.addi %add3A_1132, %add3A_1187 : vector<16xi32>
        %mul3A_1189 = arith.mulf %get3A_1185, %broadcast_in_dim3A_1135 : vector<16xf32>
        tpu.vector_store_idx %arg9[%add3A_1188], %mul3A_1189 {add = true} : memref<9216xf32, #tpu.memory_space<vmem>>[vector<16xi32>], vector<16xf32>,
        %add3A_1190 = arith.constant 13 : i32
        %add3A_1191 = arith.addi %mul3A_33, %add3A_1190 : i32
        %get3A_1192 = arith.index_cast %add3A_1191 : i32 to index
        %get3A_1193 = arith.constant 96 : index
        %get3A_1194 = tpu.vector_load %arg6[%get3A_1192, %get3A_1193] {strides = array<i32>} : memref<256x128xf32, #tpu.memory_space<vmem>>, vector<16xf32>,
        %add3A_1195 = arith.constant 96 : i32
        %add3A_1196 = vector.broadcast %add3A_1195 : i32 to vector<16xi32>
        %add3A_1197 = arith.addi %add3A_1132, %add3A_1196 : vector<16xi32>
        %mul3A_1198 = arith.mulf %get3A_1194, %broadcast_in_dim3A_1135 : vector<16xf32>
        tpu.vector_store_idx %arg9[%add3A_1197], %mul3A_1198 {add = true} : memref<9216xf32, #tpu.memory_space<vmem>>[vector<16xi32>], vector<16xf32>,
        %add3A_1199 = arith.constant 13 : i32
        %add3A_1200 = arith.addi %mul3A_33, %add3A_1199 : i32
        %get3A_1201 = arith.index_cast %add3A_1200 : i32 to index
        %get3A_1202 = arith.constant 112 : index
        %get3A_1203 = tpu.vector_load %arg6[%get3A_1201, %get3A_1202] {strides = array<i32>} : memref<256x128xf32, #tpu.memory_space<vmem>>, vector<16xf32>,
        %add3A_1204 = arith.constant 112 : i32
        %add3A_1205 = vector.broadcast %add3A_1204 : i32 to vector<16xi32>
        %add3A_1206 = arith.addi %add3A_1132, %add3A_1205 : vector<16xi32>
        %mul3A_1207 = arith.mulf %get3A_1203, %broadcast_in_dim3A_1135 : vector<16xf32>
        tpu.vector_store_idx %arg9[%add3A_1206], %mul3A_1207 {add = true} : memref<9216xf32, #tpu.memory_space<vmem>>[vector<16xi32>], vector<16xf32>,
        %add3A_1208 = arith.constant 128 : i32
        %add3A_1209 = vector.broadcast %add3A_1208 : i32 to vector<16xi32>
        %add3A_1210 = arith.addi %add3A_1132, %add3A_1209 : vector<16xi32>
        tpu.vector_store_idx %arg9[%add3A_1210], %broadcast_in_dim3A_1135 {add = true} : memref<9216xf32, #tpu.memory_space<vmem>>[vector<16xi32>], vector<16xf32>,
        %slice3A_1211 = vector.extract_strided_slice %get3A_34 {offsets = [14], sizes = [1], strides = [1]} : vector<16xi32> to vector<1xi32>
        %squeeze3A_1212 = vector.extract %slice3A_1211[0] : i32 from vector<1xi32>
        %mul3A_1213 = arith.constant 144 : i32
        %mul3A_1214 = arith.muli %squeeze3A_1212, %mul3A_1213 : i32
        %broadcast_in_dim3A_1215 = vector.broadcast %mul3A_1214 : i32 to vector<16xi32>
        %add3A_1216 = arith.addi %broadcast_in_dim3A_1215, %iota3A : vector<16xi32>
        %slice3A_1217 = vector.extract_strided_slice %get3A_36 {offsets = [14], sizes = [1], strides = [1]} : vector<16xf32> to vector<1xf32>
        %squeeze3A_1218 = vector.extract %slice3A_1217[0] : f32 from vector<1xf32>
        %broadcast_in_dim3A_1219 = vector.broadcast %squeeze3A_1218 : f32 to vector<16xf32>
        %add3A_1220 = arith.constant 14 : i32
        %add3A_1221 = arith.addi %mul3A_33, %add3A_1220 : i32
        %get3A_1222 = arith.index_cast %add3A_1221 : i32 to index
        %get3A_1223 = arith.constant 0 : index
        %get3A_1224 = tpu.vector_load %arg6[%get3A_1222, %get3A_1223] {strides = array<i32>} : memref<256x128xf32, #tpu.memory_space<vmem>>, vector<16xf32>,
        %add3A_1225 = arith.constant 0 : i32
        %add3A_1226 = vector.broadcast %add3A_1225 : i32 to vector<16xi32>
        %add3A_1227 = arith.addi %add3A_1216, %add3A_1226 : vector<16xi32>
        %mul3A_1228 = arith.mulf %get3A_1224, %broadcast_in_dim3A_1219 : vector<16xf32>
        tpu.vector_store_idx %arg9[%add3A_1227], %mul3A_1228 {add = true} : memref<9216xf32, #tpu.memory_space<vmem>>[vector<16xi32>], vector<16xf32>,
        %add3A_1229 = arith.constant 14 : i32
        %add3A_1230 = arith.addi %mul3A_33, %add3A_1229 : i32
        %get3A_1231 = arith.index_cast %add3A_1230 : i32 to index
        %get3A_1232 = arith.constant 16 : index
        %get3A_1233 = tpu.vector_load %arg6[%get3A_1231, %get3A_1232] {strides = array<i32>} : memref<256x128xf32, #tpu.memory_space<vmem>>, vector<16xf32>,
        %add3A_1234 = arith.constant 16 : i32
        %add3A_1235 = vector.broadcast %add3A_1234 : i32 to vector<16xi32>
        %add3A_1236 = arith.addi %add3A_1216, %add3A_1235 : vector<16xi32>
        %mul3A_1237 = arith.mulf %get3A_1233, %broadcast_in_dim3A_1219 : vector<16xf32>
        tpu.vector_store_idx %arg9[%add3A_1236], %mul3A_1237 {add = true} : memref<9216xf32, #tpu.memory_space<vmem>>[vector<16xi32>], vector<16xf32>,
        %add3A_1238 = arith.constant 14 : i32
        %add3A_1239 = arith.addi %mul3A_33, %add3A_1238 : i32
        %get3A_1240 = arith.index_cast %add3A_1239 : i32 to index
        %get3A_1241 = arith.constant 32 : index
        %get3A_1242 = tpu.vector_load %arg6[%get3A_1240, %get3A_1241] {strides = array<i32>} : memref<256x128xf32, #tpu.memory_space<vmem>>, vector<16xf32>,
        %add3A_1243 = arith.constant 32 : i32
        %add3A_1244 = vector.broadcast %add3A_1243 : i32 to vector<16xi32>
        %add3A_1245 = arith.addi %add3A_1216, %add3A_1244 : vector<16xi32>
        %mul3A_1246 = arith.mulf %get3A_1242, %broadcast_in_dim3A_1219 : vector<16xf32>
        tpu.vector_store_idx %arg9[%add3A_1245], %mul3A_1246 {add = true} : memref<9216xf32, #tpu.memory_space<vmem>>[vector<16xi32>], vector<16xf32>,
        %add3A_1247 = arith.constant 14 : i32
        %add3A_1248 = arith.addi %mul3A_33, %add3A_1247 : i32
        %get3A_1249 = arith.index_cast %add3A_1248 : i32 to index
        %get3A_1250 = arith.constant 48 : index
        %get3A_1251 = tpu.vector_load %arg6[%get3A_1249, %get3A_1250] {strides = array<i32>} : memref<256x128xf32, #tpu.memory_space<vmem>>, vector<16xf32>,
        %add3A_1252 = arith.constant 48 : i32
        %add3A_1253 = vector.broadcast %add3A_1252 : i32 to vector<16xi32>
        %add3A_1254 = arith.addi %add3A_1216, %add3A_1253 : vector<16xi32>
        %mul3A_1255 = arith.mulf %get3A_1251, %broadcast_in_dim3A_1219 : vector<16xf32>
        tpu.vector_store_idx %arg9[%add3A_1254], %mul3A_1255 {add = true} : memref<9216xf32, #tpu.memory_space<vmem>>[vector<16xi32>], vector<16xf32>,
        %add3A_1256 = arith.constant 14 : i32
        %add3A_1257 = arith.addi %mul3A_33, %add3A_1256 : i32
        %get3A_1258 = arith.index_cast %add3A_1257 : i32 to index
        %get3A_1259 = arith.constant 64 : index
        %get3A_1260 = tpu.vector_load %arg6[%get3A_1258, %get3A_1259] {strides = array<i32>} : memref<256x128xf32, #tpu.memory_space<vmem>>, vector<16xf32>,
        %add3A_1261 = arith.constant 64 : i32
        %add3A_1262 = vector.broadcast %add3A_1261 : i32 to vector<16xi32>
        %add3A_1263 = arith.addi %add3A_1216, %add3A_1262 : vector<16xi32>
        %mul3A_1264 = arith.mulf %get3A_1260, %broadcast_in_dim3A_1219 : vector<16xf32>
        tpu.vector_store_idx %arg9[%add3A_1263], %mul3A_1264 {add = true} : memref<9216xf32, #tpu.memory_space<vmem>>[vector<16xi32>], vector<16xf32>,
        %add3A_1265 = arith.constant 14 : i32
        %add3A_1266 = arith.addi %mul3A_33, %add3A_1265 : i32
        %get3A_1267 = arith.index_cast %add3A_1266 : i32 to index
        %get3A_1268 = arith.constant 80 : index
        %get3A_1269 = tpu.vector_load %arg6[%get3A_1267, %get3A_1268] {strides = array<i32>} : memref<256x128xf32, #tpu.memory_space<vmem>>, vector<16xf32>,
        %add3A_1270 = arith.constant 80 : i32
        %add3A_1271 = vector.broadcast %add3A_1270 : i32 to vector<16xi32>
        %add3A_1272 = arith.addi %add3A_1216, %add3A_1271 : vector<16xi32>
        %mul3A_1273 = arith.mulf %get3A_1269, %broadcast_in_dim3A_1219 : vector<16xf32>
        tpu.vector_store_idx %arg9[%add3A_1272], %mul3A_1273 {add = true} : memref<9216xf32, #tpu.memory_space<vmem>>[vector<16xi32>], vector<16xf32>,
        %add3A_1274 = arith.constant 14 : i32
        %add3A_1275 = arith.addi %mul3A_33, %add3A_1274 : i32
        %get3A_1276 = arith.index_cast %add3A_1275 : i32 to index
        %get3A_1277 = arith.constant 96 : index
        %get3A_1278 = tpu.vector_load %arg6[%get3A_1276, %get3A_1277] {strides = array<i32>} : memref<256x128xf32, #tpu.memory_space<vmem>>, vector<16xf32>,
        %add3A_1279 = arith.constant 96 : i32
        %add3A_1280 = vector.broadcast %add3A_1279 : i32 to vector<16xi32>
        %add3A_1281 = arith.addi %add3A_1216, %add3A_1280 : vector<16xi32>
        %mul3A_1282 = arith.mulf %get3A_1278, %broadcast_in_dim3A_1219 : vector<16xf32>
        tpu.vector_store_idx %arg9[%add3A_1281], %mul3A_1282 {add = true} : memref<9216xf32, #tpu.memory_space<vmem>>[vector<16xi32>], vector<16xf32>,
        %add3A_1283 = arith.constant 14 : i32
        %add3A_1284 = arith.addi %mul3A_33, %add3A_1283 : i32
        %get3A_1285 = arith.index_cast %add3A_1284 : i32 to index
        %get3A_1286 = arith.constant 112 : index
        %get3A_1287 = tpu.vector_load %arg6[%get3A_1285, %get3A_1286] {strides = array<i32>} : memref<256x128xf32, #tpu.memory_space<vmem>>, vector<16xf32>,
        %add3A_1288 = arith.constant 112 : i32
        %add3A_1289 = vector.broadcast %add3A_1288 : i32 to vector<16xi32>
        %add3A_1290 = arith.addi %add3A_1216, %add3A_1289 : vector<16xi32>
        %mul3A_1291 = arith.mulf %get3A_1287, %broadcast_in_dim3A_1219 : vector<16xf32>
        tpu.vector_store_idx %arg9[%add3A_1290], %mul3A_1291 {add = true} : memref<9216xf32, #tpu.memory_space<vmem>>[vector<16xi32>], vector<16xf32>,
        %add3A_1292 = arith.constant 128 : i32
        %add3A_1293 = vector.broadcast %add3A_1292 : i32 to vector<16xi32>
        %add3A_1294 = arith.addi %add3A_1216, %add3A_1293 : vector<16xi32>
        tpu.vector_store_idx %arg9[%add3A_1294], %broadcast_in_dim3A_1219 {add = true} : memref<9216xf32, #tpu.memory_space<vmem>>[vector<16xi32>], vector<16xf32>,
        %slice3A_1295 = vector.extract_strided_slice %get3A_34 {offsets = [15], sizes = [1], strides = [1]} : vector<16xi32> to vector<1xi32>
        %squeeze3A_1296 = vector.extract %slice3A_1295[0] : i32 from vector<1xi32>
        %mul3A_1297 = arith.constant 144 : i32
        %mul3A_1298 = arith.muli %squeeze3A_1296, %mul3A_1297 : i32
        %broadcast_in_dim3A_1299 = vector.broadcast %mul3A_1298 : i32 to vector<16xi32>
        %add3A_1300 = arith.addi %broadcast_in_dim3A_1299, %iota3A : vector<16xi32>
        %slice3A_1301 = vector.extract_strided_slice %get3A_36 {offsets = [15], sizes = [1], strides = [1]} : vector<16xf32> to vector<1xf32>
        %squeeze3A_1302 = vector.extract %slice3A_1301[0] : f32 from vector<1xf32>
        %broadcast_in_dim3A_1303 = vector.broadcast %squeeze3A_1302 : f32 to vector<16xf32>
        %add3A_1304 = arith.constant 15 : i32
        %add3A_1305 = arith.addi %mul3A_33, %add3A_1304 : i32
        %get3A_1306 = arith.index_cast %add3A_1305 : i32 to index
        %get3A_1307 = arith.constant 0 : index
        %get3A_1308 = tpu.vector_load %arg6[%get3A_1306, %get3A_1307] {strides = array<i32>} : memref<256x128xf32, #tpu.memory_space<vmem>>, vector<16xf32>,
        %add3A_1309 = arith.constant 0 : i32
        %add3A_1310 = vector.broadcast %add3A_1309 : i32 to vector<16xi32>
        %add3A_1311 = arith.addi %add3A_1300, %add3A_1310 : vector<16xi32>
        %mul3A_1312 = arith.mulf %get3A_1308, %broadcast_in_dim3A_1303 : vector<16xf32>
        tpu.vector_store_idx %arg9[%add3A_1311], %mul3A_1312 {add = true} : memref<9216xf32, #tpu.memory_space<vmem>>[vector<16xi32>], vector<16xf32>,
        %add3A_1313 = arith.constant 15 : i32
        %add3A_1314 = arith.addi %mul3A_33, %add3A_1313 : i32
        %get3A_1315 = arith.index_cast %add3A_1314 : i32 to index
        %get3A_1316 = arith.constant 16 : index
        %get3A_1317 = tpu.vector_load %arg6[%get3A_1315, %get3A_1316] {strides = array<i32>} : memref<256x128xf32, #tpu.memory_space<vmem>>, vector<16xf32>,
        %add3A_1318 = arith.constant 16 : i32
        %add3A_1319 = vector.broadcast %add3A_1318 : i32 to vector<16xi32>
        %add3A_1320 = arith.addi %add3A_1300, %add3A_1319 : vector<16xi32>
        %mul3A_1321 = arith.mulf %get3A_1317, %broadcast_in_dim3A_1303 : vector<16xf32>
        tpu.vector_store_idx %arg9[%add3A_1320], %mul3A_1321 {add = true} : memref<9216xf32, #tpu.memory_space<vmem>>[vector<16xi32>], vector<16xf32>,
        %add3A_1322 = arith.constant 15 : i32
        %add3A_1323 = arith.addi %mul3A_33, %add3A_1322 : i32
        %get3A_1324 = arith.index_cast %add3A_1323 : i32 to index
        %get3A_1325 = arith.constant 32 : index
        %get3A_1326 = tpu.vector_load %arg6[%get3A_1324, %get3A_1325] {strides = array<i32>} : memref<256x128xf32, #tpu.memory_space<vmem>>, vector<16xf32>,
        %add3A_1327 = arith.constant 32 : i32
        %add3A_1328 = vector.broadcast %add3A_1327 : i32 to vector<16xi32>
        %add3A_1329 = arith.addi %add3A_1300, %add3A_1328 : vector<16xi32>
        %mul3A_1330 = arith.mulf %get3A_1326, %broadcast_in_dim3A_1303 : vector<16xf32>
        tpu.vector_store_idx %arg9[%add3A_1329], %mul3A_1330 {add = true} : memref<9216xf32, #tpu.memory_space<vmem>>[vector<16xi32>], vector<16xf32>,
        %add3A_1331 = arith.constant 15 : i32
        %add3A_1332 = arith.addi %mul3A_33, %add3A_1331 : i32
        %get3A_1333 = arith.index_cast %add3A_1332 : i32 to index
        %get3A_1334 = arith.constant 48 : index
        %get3A_1335 = tpu.vector_load %arg6[%get3A_1333, %get3A_1334] {strides = array<i32>} : memref<256x128xf32, #tpu.memory_space<vmem>>, vector<16xf32>,
        %add3A_1336 = arith.constant 48 : i32
        %add3A_1337 = vector.broadcast %add3A_1336 : i32 to vector<16xi32>
        %add3A_1338 = arith.addi %add3A_1300, %add3A_1337 : vector<16xi32>
        %mul3A_1339 = arith.mulf %get3A_1335, %broadcast_in_dim3A_1303 : vector<16xf32>
        tpu.vector_store_idx %arg9[%add3A_1338], %mul3A_1339 {add = true} : memref<9216xf32, #tpu.memory_space<vmem>>[vector<16xi32>], vector<16xf32>,
        %add3A_1340 = arith.constant 15 : i32
        %add3A_1341 = arith.addi %mul3A_33, %add3A_1340 : i32
        %get3A_1342 = arith.index_cast %add3A_1341 : i32 to index
        %get3A_1343 = arith.constant 64 : index
        %get3A_1344 = tpu.vector_load %arg6[%get3A_1342, %get3A_1343] {strides = array<i32>} : memref<256x128xf32, #tpu.memory_space<vmem>>, vector<16xf32>,
        %add3A_1345 = arith.constant 64 : i32
        %add3A_1346 = vector.broadcast %add3A_1345 : i32 to vector<16xi32>
        %add3A_1347 = arith.addi %add3A_1300, %add3A_1346 : vector<16xi32>
        %mul3A_1348 = arith.mulf %get3A_1344, %broadcast_in_dim3A_1303 : vector<16xf32>
        tpu.vector_store_idx %arg9[%add3A_1347], %mul3A_1348 {add = true} : memref<9216xf32, #tpu.memory_space<vmem>>[vector<16xi32>], vector<16xf32>,
        %add3A_1349 = arith.constant 15 : i32
        %add3A_1350 = arith.addi %mul3A_33, %add3A_1349 : i32
        %get3A_1351 = arith.index_cast %add3A_1350 : i32 to index
        %get3A_1352 = arith.constant 80 : index
        %get3A_1353 = tpu.vector_load %arg6[%get3A_1351, %get3A_1352] {strides = array<i32>} : memref<256x128xf32, #tpu.memory_space<vmem>>, vector<16xf32>,
        %add3A_1354 = arith.constant 80 : i32
        %add3A_1355 = vector.broadcast %add3A_1354 : i32 to vector<16xi32>
        %add3A_1356 = arith.addi %add3A_1300, %add3A_1355 : vector<16xi32>
        %mul3A_1357 = arith.mulf %get3A_1353, %broadcast_in_dim3A_1303 : vector<16xf32>
        tpu.vector_store_idx %arg9[%add3A_1356], %mul3A_1357 {add = true} : memref<9216xf32, #tpu.memory_space<vmem>>[vector<16xi32>], vector<16xf32>,
        %add3A_1358 = arith.constant 15 : i32
        %add3A_1359 = arith.addi %mul3A_33, %add3A_1358 : i32
        %get3A_1360 = arith.index_cast %add3A_1359 : i32 to index
        %get3A_1361 = arith.constant 96 : index
        %get3A_1362 = tpu.vector_load %arg6[%get3A_1360, %get3A_1361] {strides = array<i32>} : memref<256x128xf32, #tpu.memory_space<vmem>>, vector<16xf32>,
        %add3A_1363 = arith.constant 96 : i32
        %add3A_1364 = vector.broadcast %add3A_1363 : i32 to vector<16xi32>
        %add3A_1365 = arith.addi %add3A_1300, %add3A_1364 : vector<16xi32>
        %mul3A_1366 = arith.mulf %get3A_1362, %broadcast_in_dim3A_1303 : vector<16xf32>
        tpu.vector_store_idx %arg9[%add3A_1365], %mul3A_1366 {add = true} : memref<9216xf32, #tpu.memory_space<vmem>>[vector<16xi32>], vector<16xf32>,
        %add3A_1367 = arith.constant 15 : i32
        %add3A_1368 = arith.addi %mul3A_33, %add3A_1367 : i32
        %get3A_1369 = arith.index_cast %add3A_1368 : i32 to index
        %get3A_1370 = arith.constant 112 : index
        %get3A_1371 = tpu.vector_load %arg6[%get3A_1369, %get3A_1370] {strides = array<i32>} : memref<256x128xf32, #tpu.memory_space<vmem>>, vector<16xf32>,
        %add3A_1372 = arith.constant 112 : i32
        %add3A_1373 = vector.broadcast %add3A_1372 : i32 to vector<16xi32>
        %add3A_1374 = arith.addi %add3A_1300, %add3A_1373 : vector<16xi32>
        %mul3A_1375 = arith.mulf %get3A_1371, %broadcast_in_dim3A_1303 : vector<16xf32>
        tpu.vector_store_idx %arg9[%add3A_1374], %mul3A_1375 {add = true} : memref<9216xf32, #tpu.memory_space<vmem>>[vector<16xi32>], vector<16xf32>,
        %add3A_1376 = arith.constant 128 : i32
        %add3A_1377 = vector.broadcast %add3A_1376 : i32 to vector<16xi32>
        %add3A_1378 = arith.addi %add3A_1300, %add3A_1377 : vector<16xi32>
        tpu.vector_store_idx %arg9[%add3A_1378], %broadcast_in_dim3A_1303 {add = true} : memref<9216xf32, #tpu.memory_space<vmem>>[vector<16xi32>], vector<16xf32>,
        %scan3A_1379 = arith.constant 0 : i32
        scf.yield %scan3A_1379 : i32
      }
      %scan3A_28 = arith.constant 16 : i32
      %scan3A_29 = arith.constant 0 : i32
      scf.yield %scan3A_29 : i32
    }
    %scan3A_16 = arith.constant 16 : i32
    "tpu.region"() ({
      %run_scoped3A = tpu.sem_alloc : memref<!tpu.dma_semaphore, #tpu.memory_space<semaphore_mem>>
      %dma_start3A = arith.constant 0 : i32
      %dma_start3A_17 = tpu.memref_slice %arg5[%add3A, %dma_start3A] : memref<32x9216xf32, #tpu.memory_space<hbm>> -> memref<1x9216xf32, #tpu.memory_space<hbm>>
      %dma_start3A_18 = tpu.memref_squeeze %dma_start3A_17 : memref<1x9216xf32, #tpu.memory_space<hbm>> -> memref<9216xf32, #tpu.memory_space<hbm>>
      %dma_start3A_19 = arith.constant 0 : i32
      %dma_start3A_20 = tpu.memref_slice %arg5[%add3A, %dma_start3A_19] : memref<32x9216xf32, #tpu.memory_space<hbm>> -> memref<1x9216xf32, #tpu.memory_space<hbm>>
      %dma_start3A_21 = tpu.memref_squeeze %dma_start3A_20 : memref<1x9216xf32, #tpu.memory_space<hbm>> -> memref<9216xf32, #tpu.memory_space<hbm>>
      tpu.enqueue_dma source(%arg9 : memref<9216xf32, #tpu.memory_space<vmem>>) target(%dma_start3A_21 : memref<9216xf32, #tpu.memory_space<hbm>>) target_semaphore(%run_scoped3A : memref<!tpu.dma_semaphore, #tpu.memory_space<semaphore_mem>>)
      %dma_wait3A = arith.constant 0 : i32
      %dma_wait3A_22 = tpu.memref_slice %arg5[%add3A, %dma_wait3A] : memref<32x9216xf32, #tpu.memory_space<hbm>> -> memref<1x9216xf32, #tpu.memory_space<hbm>>
      %dma_wait3A_23 = tpu.memref_squeeze %dma_wait3A_22 : memref<1x9216xf32, #tpu.memory_space<hbm>> -> memref<9216xf32, #tpu.memory_space<hbm>>
      %dma_wait3A_24 = arith.constant 0 : i32
      %dma_wait3A_25 = tpu.memref_slice %arg5[%add3A, %dma_wait3A_24] : memref<32x9216xf32, #tpu.memory_space<hbm>> -> memref<1x9216xf32, #tpu.memory_space<hbm>>
      %dma_wait3A_26 = tpu.memref_squeeze %dma_wait3A_25 : memref<1x9216xf32, #tpu.memory_space<hbm>> -> memref<9216xf32, #tpu.memory_space<hbm>>
      tpu.wait_dma2 semaphore(%run_scoped3A : memref<!tpu.dma_semaphore, #tpu.memory_space<semaphore_mem>>) src(%arg9 : memref<9216xf32, #tpu.memory_space<vmem>>) dst(%dma_wait3A_26 : memref<9216xf32, #tpu.memory_space<hbm>>)
      tpu.yield
    }) : () -> ()
    return
  }
}

module attributes {stable_mosaic.version = 14 : i64} {
  func.func @_mlp_exp_body(%arg0: i32, %arg1: memref<1024x128xf32, #tpu.memory_space<vmem>>, %arg2: memref<128x64xf32, #tpu.memory_space<vmem>>, %arg3: memref<1x64xf32, #tpu.memory_space<vmem>>, %arg4: memref<64x1xf32, #tpu.memory_space<vmem>>, %arg5: memref<1x1xf32, #tpu.memory_space<vmem>>, %arg6: memref<1024x1xf32, #tpu.memory_space<vmem>>) attributes {dimension_semantics = [#tpu.dimension_semantics<arbitrary>], iteration_bounds = array<i64: 128>, scalar_prefetch = 0 : i64, scratch_operands = 0 : i64, tpu.core_type = #tpu.core_type<tc>, window_params = [{transform_indices = @transform_0, window_bounds = array<i64: 1024, 128>}, {pipeline_mode = #tpu.pipeline_mode<synchronous>, transform_indices = @transform_1, window_bounds = array<i64: 128, 64>}, {pipeline_mode = #tpu.pipeline_mode<synchronous>, transform_indices = @transform_2, window_bounds = array<i64: 1, 64>}, {pipeline_mode = #tpu.pipeline_mode<synchronous>, transform_indices = @transform_3, window_bounds = array<i64: 64, 1>}, {pipeline_mode = #tpu.pipeline_mode<synchronous>, transform_indices = @transform_4, window_bounds = array<i64: 1, 1>}, {transform_indices = @transform_5, window_bounds = array<i64: 1024, 1>}]} {
    %get3A = arith.constant 0 : index
    %get3A_0 = arith.constant 0 : index
    %get3A_1 = vector.load %arg1[%get3A, %get3A_0] : memref<1024x128xf32, #tpu.memory_space<vmem>>, vector<1024x128xf32>
    %get3A_2 = arith.constant 0 : index
    %get3A_3 = arith.constant 0 : index
    %get3A_4 = vector.load %arg2[%get3A_2, %get3A_3] : memref<128x64xf32, #tpu.memory_space<vmem>>, vector<128x64xf32>
    %dot_general3A = arith.constant dense<0.000000e+00> : vector<1024x64xf32>
    %dot_general3A_5 = tpu.matmul %get3A_1, %get3A_4, %dot_general3A {dimension_numbers = #tpu.dot_dimension_numbers<[1], [0], [0], [1], [0, 0, 1, 1], [], []>, transpose_lhs_hint = false} : vector<1024x128xf32>, vector<128x64xf32>, vector<1024x64xf32> -> vector<1024x64xf32>
    %get3A_6 = arith.constant 0 : index
    %get3A_7 = arith.constant 0 : index
    %get3A_8 = vector.load %arg3[%get3A_6, %get3A_7] : memref<1x64xf32, #tpu.memory_space<vmem>>, vector<1x64xf32>
    %add3A = vector.broadcast %get3A_8 : vector<1x64xf32> to vector<1024x64xf32>
    %add3A_9 = arith.addf %dot_general3A_5, %add3A : vector<1024x64xf32>
    %max3A = arith.constant 0.000000e+00 : f32
    %max3A_10 = vector.broadcast %max3A : f32 to vector<1024x64xf32>
    %max3A_11 = arith.maximumf %add3A_9, %max3A_10 : vector<1024x64xf32>
    %get3A_12 = arith.constant 0 : index
    %get3A_13 = arith.constant 0 : index
    %get3A_14 = vector.load %arg4[%get3A_12, %get3A_13] : memref<64x1xf32, #tpu.memory_space<vmem>>, vector<64x1xf32>
    %dot_general3A_15 = arith.constant dense<0.000000e+00> : vector<1024x1xf32>
    %dot_general3A_16 = tpu.matmul %max3A_11, %get3A_14, %dot_general3A_15 {dimension_numbers = #tpu.dot_dimension_numbers<[1], [0], [0], [1], [0, 0, 1, 1], [], []>, transpose_lhs_hint = false} : vector<1024x64xf32>, vector<64x1xf32>, vector<1024x1xf32> -> vector<1024x1xf32>
    %get3A_17 = arith.constant 0 : index
    %get3A_18 = arith.constant 0 : index
    %get3A_19 = vector.load %arg5[%get3A_17, %get3A_18] : memref<1x1xf32, #tpu.memory_space<vmem>>, vector<1x1xf32>
    %add3A_20 = vector.broadcast %get3A_19 : vector<1x1xf32> to vector<1024x1xf32>
    %add3A_21 = arith.addf %dot_general3A_16, %add3A_20 : vector<1024x1xf32>
    %logistic3A = arith.negf %add3A_21 : vector<1024x1xf32>
    %logistic3A_22 = math.exp %logistic3A : vector<1024x1xf32>
    %logistic3A_23 = arith.constant 1.000000e+00 : f32
    %logistic3A_24 = vector.broadcast %logistic3A_23 : f32 to vector<1024x1xf32>
    %logistic3A_25 = arith.addf %logistic3A_24, %logistic3A_22 : vector<1024x1xf32>
    %logistic3A_26 = arith.divf %logistic3A_24, %logistic3A_25 : vector<1024x1xf32>
    %exp3A = math.exp %logistic3A_26 : vector<1024x1xf32>
    %swap3A = arith.constant 0 : index
    %swap3A_27 = arith.constant 0 : index
    %swap3A_28 = vector.load %arg6[%swap3A, %swap3A_27] : memref<1024x1xf32, #tpu.memory_space<vmem>>, vector<1024x1xf32>
    tpu.vector_store %arg6[%swap3A, %swap3A_27], %exp3A {strides = array<i32>} : memref<1024x1xf32, #tpu.memory_space<vmem>>, vector<1024x1xf32>,
    return
  }
  func.func @transform_0(%arg0: i32) -> (i32, i32) {
    %c0_i32 = arith.constant 0 : i32
    %c0_i32_0 = arith.constant 0 : i32
    return %arg0, %c0_i32 : i32, i32
  }
  func.func @transform_1(%arg0: i32) -> (i32, i32) {
    %c0_i32 = arith.constant 0 : i32
    %c0_i32_0 = arith.constant 0 : i32
    %c0_i32_1 = arith.constant 0 : i32
    return %c0_i32, %c0_i32_0 : i32, i32
  }
  func.func @transform_2(%arg0: i32) -> (i32, i32) {
    %c0_i32 = arith.constant 0 : i32
    %c0_i32_0 = arith.constant 0 : i32
    %c0_i32_1 = arith.constant 0 : i32
    return %c0_i32, %c0_i32_0 : i32, i32
  }
  func.func @transform_3(%arg0: i32) -> (i32, i32) {
    %c0_i32 = arith.constant 0 : i32
    %c0_i32_0 = arith.constant 0 : i32
    %c0_i32_1 = arith.constant 0 : i32
    return %c0_i32, %c0_i32_0 : i32, i32
  }
  func.func @transform_4(%arg0: i32) -> (i32, i32) {
    %c0_i32 = arith.constant 0 : i32
    %c0_i32_0 = arith.constant 0 : i32
    %c0_i32_1 = arith.constant 0 : i32
    return %c0_i32, %c0_i32_0 : i32, i32
  }
  func.func @transform_5(%arg0: i32) -> (i32, i32) {
    %c0_i32 = arith.constant 0 : i32
    %c0_i32_0 = arith.constant 0 : i32
    return %arg0, %c0_i32 : i32, i32
  }
}

module attributes {stable_mosaic.version = 14 : i64} {
  func.func @_combine_body(%arg0: i32, %arg1: memref<4x64x144xf32, #tpu.memory_space<vmem>>, %arg2: memref<1x64x128xf32, #tpu.memory_space<vmem>>) attributes {dimension_semantics = [#tpu.dimension_semantics<arbitrary>], iteration_bounds = array<i64: 8>, scalar_prefetch = 0 : i64, scratch_operands = 0 : i64, tpu.core_type = #tpu.core_type<tc>, window_params = [{transform_indices = @transform_0, window_bounds = array<i64: 4, 64, 144>}, {transform_indices = @transform_1, window_bounds = array<i64: 1, 64, 128>}]} {
    %get3A = arith.constant 0 : index
    %get3A_0 = arith.constant 0 : index
    %get3A_1 = arith.constant 0 : index
    %get3A_2 = vector.load %arg1[%get3A, %get3A_0, %get3A_1] : memref<4x64x144xf32, #tpu.memory_space<vmem>>, vector<4x64x144xf32>
    %reduce_sum3A = arith.constant dense<0.000000e+00> : vector<64x144xf32>
    %reduce_sum3A_3 = vector.multi_reduction <add>, %get3A_2, %reduce_sum3A [0] : vector<4x64x144xf32> to vector<64x144xf32>
    %slice3A = vector.extract_strided_slice %reduce_sum3A_3 {offsets = [0, 128], sizes = [64, 1], strides = [1, 1]} : vector<64x144xf32> to vector<64x1xf32>
    %slice3A_4 = vector.extract_strided_slice %reduce_sum3A_3 {offsets = [0, 0], sizes = [64, 128], strides = [1, 1]} : vector<64x144xf32> to vector<64x128xf32>
    %gt3A = arith.constant 0.000000e+00 : f32
    %gt3A_5 = vector.broadcast %gt3A : f32 to vector<64x1xf32>
    %gt3A_6 = arith.cmpf ogt, %slice3A, %gt3A_5 : vector<64x1xf32>
    %div3A = vector.broadcast %slice3A : vector<64x1xf32> to vector<64x128xf32>
    %div3A_7 = arith.divf %slice3A_4, %div3A : vector<64x128xf32>
    %jit3A = arith.constant 0.000000e+00 : f32
    %broadcast_in_dim3A = vector.shape_cast %gt3A_6 : vector<64x1xi1> to vector<64x1xi1>
    %broadcast_in_dim3A_8 = vector.broadcast %broadcast_in_dim3A : vector<64x1xi1> to vector<64x128xi1>
    %broadcast_in_dim3A_9 = vector.broadcast %jit3A : f32 to vector<64x128xf32>
    %select_n3A = arith.select %broadcast_in_dim3A_8, %div3A_7, %broadcast_in_dim3A_9 : vector<64x128xi1>, vector<64x128xf32>
    %broadcast_in_dim3A_10 = vector.shape_cast %select_n3A : vector<64x128xf32> to vector<1x64x128xf32>
    %swap3A = arith.constant 0 : index
    %swap3A_11 = arith.constant 0 : index
    %swap3A_12 = arith.constant 0 : index
    %swap3A_13 = vector.load %arg2[%swap3A, %swap3A_11, %swap3A_12] : memref<1x64x128xf32, #tpu.memory_space<vmem>>, vector<1x64x128xf32>
    tpu.vector_store %arg2[%swap3A, %swap3A_11, %swap3A_12], %broadcast_in_dim3A_10 {strides = array<i32>} : memref<1x64x128xf32, #tpu.memory_space<vmem>>, vector<1x64x128xf32>,
    return
  }
  func.func @transform_0(%arg0: i32) -> (i32, i32, i32) {
    %c0_i32 = arith.constant 0 : i32
    %c0_i32_0 = arith.constant 0 : i32
    %c0_i32_1 = arith.constant 0 : i32
    return %arg0, %c0_i32, %c0_i32_0 : i32, i32, i32
  }
  func.func @transform_1(%arg0: i32) -> (i32, i32, i32) {
    %c0_i32 = arith.constant 0 : i32
    %c0_i32_0 = arith.constant 0 : i32
    %c0_i32_1 = arith.constant 0 : i32
    return %arg0, %c0_i32, %c0_i32_0 : i32, i32, i32
  }
}

</mosaic_0001>

<sc_bundles>
// kernel: kernel.5.cloned.1.call-start
scs
__scs_entry_jumppad:
0x0: {  	(pc) =	sbr.rel $0x88, $3  }
0x1: {  	(tag) =	ssettag $0x0;
	lr =	simm.s32 $0x1  }
0x2: {  	[smem:$0x3F9B] =	sst lr;
	_ =	strace $0xD0000000  }
0x3: {  	_ = 	snop  }
0x4: {  	_ = 	snop  }
0x5: {  	_ = 	snop  }
0x6: {  	_ = 	snop  }
0x7: {  	_ = 	snop  }
__scs_overlays_trampoline_lowered:
0x8: {  	[smem:$0x3FAA] =	sst s0  }
0x9: {  	[smem:$0x3FAB] =	sst s1  }
0xa: {  	[smem:$0x3FAC] =	sst s2  }
0xb: {  	[smem:$0x3FAD] =	sst s3  }
0xc: {  	[smem:$0x3FAE] =	sst s4  }
0xd: {  	[smem:$0x3FAF] =	sst s5  }
0xe: {  	[smem:$0x3FB0] =	sst s6  }
0xf: {  	[smem:$0x3FB1] =	sst s7  }
0x10: {  	[smem:$0x3FB2] =	sst s8  }
0x11: {  	[smem:$0x3FB3] =	sst s9;
	s0 =	simm.s32 @!p0 $0x0  }
0x12: {  	s1 =	sld [smem:$0x3F99];
	s0 =	simm.s32 @p0 $0x1  }
0x13: {  	[smem:$0x3FB4] =	sst s0;
	s0 =	simm.s32 @!p1 $0x0  }
0x14: {  	s2 =	sld [smem:$0x3F98];
	s0 =	simm.s32 @p1 $0x1  }
0x15: {  	[smem:$0x3FB5] =	sst s0;
	s0 =	simm.s32 @!p2 $0x0  }
0x16: {  	s3 =	sld [smem:$0x3FDB];
	s0 =	simm.s32 @p2 $0x1  }
0x17: {  	s4 =	simm.s32 $0x1BF5;
	[smem:$0x3FB7] =	sst s0  }
0x18: {  	s0 =	sld [smem:$0x3F9A];
	_ =	swait.ge [sflag:s4], $0x0  }
0x19: {  	s7 =	sld [smem:$0x3F9B]  }
0x1a: {  	s8 =	sadd.s32 $0xFFFFE003, lr  }
0x1b: {  	s9 =	sadd.s32 $0xFFFFFEF7, lr;
	s5 =	simm.s32 $0xFFFFFFFF;
	p2 =	slt.u32 s8, $0xFFFFF086  }
0x1c: {  	p1 =	slt.u32 s9, $0xF7A;
	s5 =	simm.s32 @!p2 $0x0  }
0x1d: {  	s5 =	simm.s32 @p1 $0x1;
	p0 =	seq.s32 s7, s2  }
0x1e: {  	s7 =	smul.u32 @!p0 $0xF7A, s2;
	p2 =	seq.s32 @!p0 s5, $0x0  }
0x1f: {  	s9 =	smul.u32 $0xF7A, s1;
	s8 =	simm.s32 @!p0 $0x1BF5;
	p2 =	por !p2, p0  }
0x20: {  	[sflag:s8] =	ssyncset.s32 @!p0 $0xFFFFF086;
	s6 =	sadd.s32 @!p0 s3, s7;
	s7 =	simm.s32 @!p0 $0x108  }
0x21: {  	s3 =	sadd.s32 s3, s9;
	s6 =	sadd.s32 @!p0 $0x88, s6;
	s7 =	simm.s32 @p2 $0x1082  }
0x22: {  	[simem:s7], [sflag:s8] =	dma.local @!p0 [hbm:s6], $0xF7A  }
0x23: {  	s9 =	sor.u32 $0xD0000000, s2;
	s6 =	simm.s32 $0x108;
	_ =	swait.ge @!p0 [sflag:s8], $0x0  }
0x24: {  	s3 =	sadd.s32 $0x88, s3;
	s6 =	simm.s32 @!p1 $0x1082;
	[sflag:s4] =	ssyncset.s32 $0xFFFFF086  }
0x25: {  	[simem:s6], [sflag:s4] =	dma.local [hbm:s3], $0xF7A  }
0x26: {  	[smem:$0x3F9B] =	sst s1;
	(tag) =	ssettag s2;
	_ =	strace s9  }
0x27: {  	s1 =	sld [smem:$0x3FAB]  }
0x28: {  	s2 =	sld [smem:$0x3FAC]  }
0x29: {  	s4 =	sld [smem:$0x3FAE]  }
0x2a: {  	p0 =	seq.s32 s5, $0x0;
	s5 =	sld [smem:$0x3FAF]  }
0x2b: {  	s6 =	sld [smem:$0x3FB0]  }
0x2c: {  	s7 =	sld [smem:$0x3FB1]  }
0x2d: {  	s3 =	simm.s32 $0x108;
	s8 =	sld [smem:$0x3FB2]  }
0x2e: {  	s3 =	simm.s32 @!p0 $0x1082;
	s9 =	sld [smem:$0x3FB3]  }
0x2f: {  	lr =	sadd.s32 s0, s3;
	s0 =	sld [smem:$0x3FAA]  }
0x30: {  	s3 =	sld [smem:$0x3FAD]  }
0x31: {  	[smem:$0x3FB6] =	sst s10  }
0x32: {  	s10 =	sld [smem:$0x3FB4];
	_ =	sdelay $0x3  }
0x33: {  	p0 =	seq.s32 s10, $0x1;
	s10 =	sld [smem:$0x3FB6];
	_ =	sdelay $0x3  }
0x34: {  	[smem:$0x3FB6] =	sst s10  }
0x35: {  	s10 =	sld [smem:$0x3FB5];
	_ =	sdelay $0x3  }
0x36: {  	p1 =	seq.s32 s10, $0x1;
	s10 =	sld [smem:$0x3FB6];
	_ =	sdelay $0x3  }
0x37: {  	[smem:$0x3FB6] =	sst s10  }
0x38: {  	s10 =	sld [smem:$0x3FB7]  }
0x39: {  	_ = 	snop;
	(pc) =	sbr.ind lr, $3  }
0x3a: {  	_ = 	snop  }
0x3b: {  	_ = 	snop  }
0x3c: {  	p2 =	seq.s32 s10, $0x1;
	s10 =	sld [smem:$0x3FB6]  }
0x3d: {  	_ =	shalt  }
0x3e: {  	_ =	shalt  }
0x3f: {  	_ =	shalt  }
0x40: {  	_ =	shalt  }
0x41: {  	_ =	shalt  }
0x42: {  	_ =	shalt  }
0x43: {  	_ =	shalt  }
0x44: {  	_ =	shalt  }
0x45: {  	_ =	shalt  }
0x46: {  	_ =	shalt  }
0x47: {  	_ =	shalt  }
0x48: {  	_ =	shalt  }
0x49: {  	_ =	shalt  }
0x4a: {  	_ =	shalt  }
0x4b: {  	_ =	shalt  }
0x4c: {  	_ =	shalt  }
0x4d: {  	_ =	shalt  }
0x4e: {  	_ =	shalt  }
0x4f: {  	_ =	shalt  }
0x50: {  	_ =	shalt  }
0x51: {  	_ =	shalt  }
0x52: {  	_ =	shalt  }
0x53: {  	_ =	shalt  }
0x54: {  	_ =	shalt  }
0x55: {  	_ =	shalt  }
0x56: {  	_ =	shalt  }
0x57: {  	_ =	shalt  }
0x58: {  	_ =	shalt  }
0x59: {  	_ =	shalt  }
0x5a: {  	_ =	shalt  }
0x5b: {  	_ =	shalt  }
0x5c: {  	_ =	shalt  }
0x5d: {  	_ =	shalt  }
0x5e: {  	_ =	shalt  }
0x5f: {  	_ =	shalt  }
0x60: {  	_ =	shalt  }
0x61: {  	_ =	shalt  }
0x62: {  	_ =	shalt  }
0x63: {  	_ =	shalt  }
0x64: {  	_ =	shalt  }
0x65: {  	_ =	shalt  }
0x66: {  	_ =	shalt  }
0x67: {  	_ =	shalt  }
0x68: {  	_ =	shalt  }
0x69: {  	_ =	shalt  }
0x6a: {  	_ =	shalt  }
0x6b: {  	_ =	shalt  }
0x6c: {  	_ =	shalt  }
0x6d: {  	_ =	shalt  }
0x6e: {  	_ =	shalt  }
0x6f: {  	_ =	shalt  }
0x70: {  	_ =	shalt  }
0x71: {  	_ =	shalt  }
0x72: {  	_ =	shalt  }
0x73: {  	_ =	shalt  }
0x74: {  	_ =	shalt  }
0x75: {  	_ =	shalt  }
0x76: {  	_ =	shalt  }
0x77: {  	_ =	shalt  }
0x78: {  	_ =	shalt  }
0x79: {  	_ =	shalt  }
0x7a: {  	_ =	shalt  }
0x7b: {  	_ =	shalt  }
0x7c: {  	_ =	shalt  }
0x7d: {  	_ =	shalt  }
0x7e: {  	_ =	shalt  }
0x7f: {  	_ =	shalt  }
0x80: {  	_ =	shalt  }
0x81: {  	_ =	shalt  }
0x82: {  	_ =	shalt  }
0x83: {  	_ =	shalt  }
0x84: {  	_ =	shalt  }
0x85: {  	_ =	shalt  }
0x86: {  	_ =	shalt  }
0x87: {  	_ =	shalt  }
.Lfunc_end0:
.L_simem_size_0:
called_computation_lowered:
.L_overlay_start_0:
0x88: {  	s2 =	sld [smem:$0x3FD9]  }
0x89: {  	s3 =	sld [smem:$0x3FFE];
	_ =	sdelay $0x1  }
0x8a: {  	s1 =	srdreg.scid  }
0x8b: {  	s0 =	sand.u32 $0x1, s1  }
0x8c: {  	s17 =	sshll.u32 s0, $0xA;
	s2 =	sadd.s32 s3, s2  }
0x8d: {  	s2 =	sadd.s32 s2, s17  }
0x8e: {  	[smem:$0x3FC2] =	sst s2  }
0x8f: {  	_ = 	snop  }
0x90: {  	s2 =	sld [smem:$0x3FC9];
	(tm) =	ssettm $0x1  }
0x91: {  	s18 =	sld [smem:$0x3FFB];
	_ =	sdelay $0x3  }
0x92: {  	_ =	strace s18  }
0x93: {  	s3 =	sld [smem:$0x3FFC];
	_ =	sdelay $0x3  }
0x94: {  	_ =	strace s3  }
0x95: {  	s3 =	sld [smem:$0x3FFD];
	_ =	sdelay $0x3  }
0x96: {  	_ =	strace s3  }
0x97: {  	_ =	strace $0x8FFFFFFF  }
0x98: {  	s19 =	sld [smem:$0x3FDB];
	_ =	sdelay $0x1  }
0x99: {  	s4 =	simm.s32 $_scs_section_size  }
0x9a: {  	s5 =	simm.s32 $_size__tile_overlayer_lowered;
	s6 =	simm.s32 $_tile_overlayer_lowered  }
0x9b: {  	s22 =	simm.s32 $0x1BFF;
	s21 =	sshll.u32 s6, $0x1;
	s3 =	sadd.s32 s4, s19  }
0x9c: {  	s7 =	simm.s32 $0x0;
	s20 =	sshll.u32 s5, $0x1;
	s5 =	sadd.s32 s21, s3  }
0x9d: {  	[timem:s7], [sflag:s22] =	dma.local [hbm:s5], s20  }
0x9e: {  	_ =	swait.ge [sflag:s22], s20  }
0x9f: {  	s4 =	ssub.s32 $0x0, s20;
	[sflag:s22] =	ssyncset.done $0x0  }
0xa0: {  	[sflag:s22] =	ssyncadd.s32 s4;
	_ =	sdelay $0x1  }
0xa1: {  	s23 =	simm.s32 $0x1B8B  }
0xa2: {  	_ =	swait.ge [sflag:s23], $0x1  }
0xa3: {  	[sflag:s23] =	ssyncset.done $0x0  }
0xa4: {  	s25 =	simm.s32 $0x1B8E;
	s24 =	sld [smem:$0x3FFE];
	[sflag:s23] =	ssyncadd.s32 $0xFFFFFFFF  }
0xa5: {  	s26 =	simm.s32 $execute0_lowered;
	[smem:$0x3FD2] =	sst s25  }
0xa6: {  	s5 =	sshll.u32 s26, $0x1;
	_ =	strace $0x80000046;
	[dreg:$0x1] =	wrdreg $0xFFFFFFFF  }
0xa7: {  	s28 =	simm.s32 $_size_execute0_lowered;
	s3 =	sadd.s32 s3, s5;
	[dreg:$0x0] =	wrdreg $0x0  }
0xa8: {  	s5 =	sshll.u32 s28, $0x1;
	[dreg:$0x2] =	wrdreg s3  }
0xa9: {  	[dreg:$0x3] =	wrdreg s5  }
0xaa: {  	[dreg:$0x4] =	wrdreg $0xC0  }
0xab: {  	_ =	task [dreg:s7], $0x5FFFF  }
0xac: {  	[dreg:$0x1] =	wrdreg $0xFFFFFFFF  }
0xad: {  	[dreg:$0x0] =	wrdreg $0x60  }
0xae: {  	[dreg:$0x2] =	wrdreg s2  }
0xaf: {  	[dreg:$0x3] =	wrdreg s24  }
0xb0: {  	[dreg:$0x4] =	wrdreg $0x9  }
0xb1: {  	_ =	task.clear_ibuf [dreg:s7], $0x5FFFF;
	_ =	strace $0x90000046  }
0xb2: {  	s29 =	simm.s32 $0x9;
	_ =	strace $0x80000048  }
0xb3: {  	_ =	swait.ge [sflag:s29], $0x1  }
0xb4: {  	[sflag:s29] =	ssyncadd.s32 $0xFFFFFFFF  }
0xb5: {  	_ =	strace $0x90000048  }
0xb6: {  	_ =	sfence  }
0xb7: {  	s30 =	sld [smem:$0x0];
	_ =	sdelay $0x2  }
0xb8: {  	s31 =	sshll.u32 s1, $0xD;
	s1 =	sshrl.u32 s1, $0x2  }
0xb9: {  	s3 =	sand.u32 $0x4000, s31;
	s1 =	sadd.s32 s1, s30  }
0xba: {  	s0 =	sor.u32 s3, s0;
	s1 =	sshll.u32 s1, $0x11  }
0xbb: {  	s0 =	sor.u32 s1, s0  }
0xbc: {  	s0 =	sadd.s32 $0x8F2B, s0  }
0xbd: {  	[sflag:s0] =	ssyncadd.remote.s32 $0x1  }
0xbe: {  	_ =	sfence.sel $0xFFFF  }
0xbf: {  	[dreg:$0x0] =	wrdreg $0xFFFFFFFF;
	(pc) =	sbr.abs _section_cstart, $3  }
0xc0: {  	[dreg:$0x1] =	wrdreg $0xFFFFFFFF  }
0xc1: {  	_ =	task.clear_ibuf [dreg:s7], $0x2FFFF;
	_ =	strace $0x9FFFFFFF  }
0xc2: {  	(tm) =	ssettm $0x7FFFFFFF  }
0xc3: {  	_ =	shalt  }
tec
execute0_lowered:
.L_overlay_start_1:
0x0: {  	(tag) =	ssettag $0x1  }
0x1: {  	s2 =	rddreg [dreg:$0x0];
	s1 =	srdreg.scid  }
0x2: {  	s0 =	stileid.u32;
	s6 =	rddreg [dreg:$0x1];
	s11 =	simm.s32 $0x8100  }
0x3: {  	s12 =	simm.s32 $0x8200;
	s13 =	simm.s32 $0x80;
	s14 =	simm.s32 $0x400  }
0x4: {  	s4 =	sand.u32 $0x1, s1;
	s3 =	sshll.u32 s0, $0x1;
	s1 =	rddreg [dreg:$0x2]  }
0x5: {  	s5 =	sshrl.u32 s0, $0x2;
	s7 =	sor.u32 s4, s3;
	s3 =	simm.s32 $0x0  }
0x6: {  	s5 =	smul.u32 $0x12000, s5;
	s31 =	ssub.s32 $0x2, s4;
	s8 =	sshll.u32 s7, $0x7  }
0x7: {  	s4 =	sadd.s32 $0x204200, s6;
	[smem:$0x7FF] =	sst s3;
	s8 =	sand.u32 $0x380, s8  }
0x8: {  	v0 =	vlaneseq.u32;
	s10 =	sshrl.u32 s31, $0x1;
	_ =	strace $0x80000047;
	s5 =	sor.u32 s5, s8  }
0x9: {  	v1 =	vimm.f32 $0.0e+00;
	v2 =	vor.u32 $0x10, v0;
	v3 =	vor.u32 $0x20, v0;
	s8 =	ssub.s32 s31, s10;
	s10 =	simm.s32 $0x8000;
	s9 =	sshrl.u32 s5, $0x3  }
0xa: {  	v4 =	vor.u32 $0x30, v0;
	v5 =	vor.u32 $0x40, v0;
	v6 =	vor.u32 $0x50, v0;
	s5 =	sadd.s32 $0x200, s6;
	s8 =	smax.u32 s8, $0x1;
	s9 =	sadd.s32 s9, s6  }
0xb: {  	v7 =	vor.u32 $0x60, v0;
	v8 =	vor.u32 $0x70, v0;
	v9 =	vor.u32 $0x80, v0;
	s6 =	sshll.u32 s7, $0xC;
	s7 =	sadd.s32 $0x4200, s9;
	s9 =	simm.s32 $0x1  }
.LBB2_1:
0xc: {  	s15 =	simm.s32 $0x40;
	s16 =	simm.s32 $0x0  }
.LBB2_2:
0xd: {  	p0 =	sne.s32 s15, $0x8FC0;
	[tilespmem:s16+$0x8200] =	vst v1;
	s16 =	smov.u32 s15;
	s15 =	sadd.s32 $0x40, s15  }
.Ltmp0:
0xe: {  	(pc) =	sbr.rel @p0 .LBB2_2-.Ltmp0, $2  }
0xf: {  	_ =	sdelay $0x2  }
0x10: {  	s16 =	sshra.s32 s16, $0x2  }
0x11: {  	[tilespmem:s16+$0x8200] =	vst v1;
	s15 =	simm.s32 $0x0;
	s16 =	simm.s32 $0x0  }
.LBB2_4:
0x12: {  	s17 =	sshll.u32 s16, $0x8  }
0x13: {  	s17 =	sadd.s32 s6, s17  }
0x14: {  	s18 =	sshll.u32 s17, $0x4  }
0x15: {  	s18 =	sadd.s32 s2, s18  }
0x16: {  	[tilespmem:s15], [sflag:$0x1] =	stream.linear.gather [hbm4b:s18+s15], $0x8000, $0x38;
	[tilespmem:$0xA600] =	vst v63  }
0x17: {  	_ =	swait.ge [sflag:s9], $0x8000  }
0x18: {  	s17 =	sshrl.u32 s17, $0x3;
	[sflag:s9] =	ssyncset.done $0x0  }
0x19: {  	s31 =	sadd.s32 s4, s17;
	[sflag:s9] =	ssyncadd.s32 $0xFFFF8000  }
0x1a: {  	[tilespmem:s10], [sflag:$0x1] =	stream.linear.gather [hbm4b:s31+s15], $0x100, $0x38;
	[tilespmem:$0xA600] =	vst v63  }
0x1b: {  	_ =	swait.ge [sflag:s9], $0x100  }
0x1c: {  	[sflag:s9] =	ssyncset.done $0x0  }
0x1d: {  	s17 =	sadd.s32 s5, s17;
	[sflag:s9] =	ssyncadd.s32 $0xFFFFFF00  }
0x1e: {  	[tilespmem:s11], [sflag:$0x1] =	stream.linear.gather [hbm4b:s17+s15], $0x100, $0x38;
	[tilespmem:$0xA600] =	vst v63  }
0x1f: {  	_ =	swait.ge [sflag:s9], $0x100  }
0x20: {  	[sflag:s9] =	ssyncset.done $0x0  }
0x21: {  	s18 =	simm.s32 $0x0;
	s17 =	simm.s32 $0x400;
	[sflag:s9] =	ssyncadd.s32 $0xFFFFFF00  }
.LBB2_5:
0x22: {  	s19 =	sshra.s32 s18, $0x2  }
0x23: {  	v11 =	vld [tilespmem:s19+$0x8100];
	_ =	sdelay $0x4  }
0x24: {  	v10 =	vld [tilespmem:s19+$0x8000];
	v11 =	vmul.u32 $0x90, v11;
	_ =	sdelay $0x1  }
0x25: {  	v13 =	vld [tilespmem:s17+$0xFFFFFC00];
	v12 =	vbroadcast v11, $0x0;
	_ =	sdelay $0x1  }
0x26: {  	v14 =	vor.u32 v0, v12  }
0x27: {  	v15 =	vbroadcast v10, $0x0;
	_ =	sdelay $0x1  }
0x28: {  	v13 =	vmul.f32 v15, v13;
	_ =	sdelay $0x1  }
0x29: {  	[tilespmem:v14+s12+$0x0] =	vst.idx.add.f32.msk $0xffff, v13  }
0x2a: {  	v13 =	vld [tilespmem:s17+$0xFFFFFC10];
	_ =	sdelay $0x1  }
0x2b: {  	v50 =	vadd.s32 v2, v12;
	_ =	sdelay $0x2  }
0x2c: {  	v13 =	vmul.f32 v13, v15;
	_ =	sdelay $0x1  }
0x2d: {  	[tilespmem:v50+s12+$0x0] =	vst.idx.add.f32.msk $0xffff, v13  }
0x2e: {  	v13 =	vld [tilespmem:s17+$0xFFFFFC20];
	_ =	sdelay $0x1  }
0x2f: {  	v51 =	vadd.s32 v3, v12;
	_ =	sdelay $0x2  }
0x30: {  	v13 =	vmul.f32 v13, v15;
	_ =	sdelay $0x1  }
0x31: {  	[tilespmem:v51+s12+$0x0] =	vst.idx.add.f32.msk $0xffff, v13  }
0x32: {  	v13 =	vld [tilespmem:s17+$0xFFFFFC30];
	_ =	sdelay $0x1  }
0x33: {  	v52 =	vadd.s32 v4, v12;
	_ =	sdelay $0x2  }
0x34: {  	v13 =	vmul.f32 v13, v15;
	_ =	sdelay $0x1  }
0x35: {  	[tilespmem:v52+s12+$0x0] =	vst.idx.add.f32.msk $0xffff, v13  }
0x36: {  	v13 =	vld [tilespmem:s17+$0xFFFFFC40];
	_ =	sdelay $0x1  }
0x37: {  	v53 =	vadd.s32 v5, v12;
	_ =	sdelay $0x2  }
0x38: {  	v13 =	vmul.f32 v13, v15;
	_ =	sdelay $0x1  }
0x39: {  	[tilespmem:v53+s12+$0x0] =	vst.idx.add.f32.msk $0xffff, v13  }
0x3a: {  	v13 =	vld [tilespmem:s17+$0xFFFFFC50];
	_ =	sdelay $0x1  }
0x3b: {  	v54 =	vadd.s32 v6, v12;
	_ =	sdelay $0x2  }
0x3c: {  	v13 =	vmul.f32 v13, v15;
	_ =	sdelay $0x1  }
0x3d: {  	[tilespmem:v54+s12+$0x0] =	vst.idx.add.f32.msk $0xffff, v13  }
0x3e: {  	v13 =	vld [tilespmem:s17+$0xFFFFFC60];
	_ =	sdelay $0x1  }
0x3f: {  	v55 =	vadd.s32 v7, v12;
	_ =	sdelay $0x2  }
0x40: {  	v13 =	vmul.f32 v13, v15;
	_ =	sdelay $0x1  }
0x41: {  	[tilespmem:v55+s12+$0x0] =	vst.idx.add.f32.msk $0xffff, v13  }
0x42: {  	v13 =	vld [tilespmem:s17+$0xFFFFFC70];
	_ =	sdelay $0x1  }
0x43: {  	v56 =	vadd.s32 v8, v12  }
0x44: {  	v12 =	vadd.s32 v9, v12;
	_ =	sdelay $0x1  }
0x45: {  	v13 =	vmul.f32 v13, v15;
	_ =	sdelay $0x1  }
0x46: {  	[tilespmem:v56+s12+$0x0] =	vst.idx.add.f32.msk $0xffff, v13  }
0x47: {  	[tilespmem:v12+s12+$0x0] =	vst.idx.add.f32.msk $0xffff, v15  }
0x48: {  	v57 =	vbroadcast v11, $0x1;
	v13 =	vld [tilespmem:s17+$0xFFFFFC80];
	_ =	sdelay $0x1  }
0x49: {  	v58 =	vor.u32 v0, v57  }
0x4a: {  	v59 =	vbroadcast v10, $0x1;
	_ =	sdelay $0x1  }
0x4b: {  	v13 =	vmul.f32 v13, v59;
	_ =	sdelay $0x1  }
0x4c: {  	[tilespmem:v58+s12+$0x0] =	vst.idx.add.f32.msk $0xffff, v13  }
0x4d: {  	v13 =	vld [tilespmem:s17+$0xFFFFFC90];
	_ =	sdelay $0x1  }
0x4e: {  	v60 =	vadd.s32 v2, v57;
	_ =	sdelay $0x2  }
0x4f: {  	v13 =	vmul.f32 v13, v59;
	_ =	sdelay $0x1  }
0x50: {  	[tilespmem:v60+s12+$0x0] =	vst.idx.add.f32.msk $0xffff, v13  }
0x51: {  	v13 =	vld [tilespmem:s17+$0xFFFFFCA0];
	_ =	sdelay $0x1  }
0x52: {  	v61 =	vadd.s32 v3, v57;
	_ =	sdelay $0x2  }
0x53: {  	v13 =	vmul.f32 v13, v59;
	_ =	sdelay $0x1  }
0x54: {  	[tilespmem:v61+s12+$0x0] =	vst.idx.add.f32.msk $0xffff, v13  }
0x55: {  	v13 =	vld [tilespmem:s17+$0xFFFFFCB0];
	_ =	sdelay $0x1  }
0x56: {  	v62 =	vadd.s32 v4, v57;
	_ =	sdelay $0x2  }
0x57: {  	v13 =	vmul.f32 v13, v59;
	_ =	sdelay $0x1  }
0x58: {  	[tilespmem:v62+s12+$0x0] =	vst.idx.add.f32.msk $0xffff, v13  }
0x59: {  	v13 =	vld [tilespmem:s17+$0xFFFFFCC0];
	_ =	sdelay $0x1  }
0x5a: {  	v63 =	vadd.s32 v5, v57;
	_ =	sdelay $0x2  }
0x5b: {  	v13 =	vmul.f32 v13, v59;
	_ =	sdelay $0x1  }
0x5c: {  	[tilespmem:v63+s12+$0x0] =	vst.idx.add.f32.msk $0xffff, v13  }
0x5d: {  	v13 =	vld [tilespmem:s17+$0xFFFFFCD0];
	_ =	sdelay $0x1  }
0x5e: {  	v16 =	vadd.s32 v6, v57;
	_ =	sdelay $0x2  }
0x5f: {  	v13 =	vmul.f32 v13, v59;
	_ =	sdelay $0x1  }
0x60: {  	[tilespmem:v16+s12+$0x0] =	vst.idx.add.f32.msk $0xffff, v13  }
0x61: {  	v13 =	vld [tilespmem:s17+$0xFFFFFCE0];
	_ =	sdelay $0x1  }
0x62: {  	v17 =	vadd.s32 v7, v57;
	_ =	sdelay $0x2  }
0x63: {  	v13 =	vmul.f32 v13, v59;
	_ =	sdelay $0x1  }
0x64: {  	[tilespmem:v17+s12+$0x0] =	vst.idx.add.f32.msk $0xffff, v13  }
0x65: {  	v13 =	vld [tilespmem:s17+$0xFFFFFCF0];
	_ =	sdelay $0x1  }
0x66: {  	v18 =	vadd.s32 v8, v57  }
0x67: {  	v12 =	vadd.s32 v9, v57;
	_ =	sdelay $0x1  }
0x68: {  	v13 =	vmul.f32 v13, v59;
	_ =	sdelay $0x1  }
0x69: {  	[tilespmem:v18+s12+$0x0] =	vst.idx.add.f32.msk $0xffff, v13  }
0x6a: {  	[tilespmem:v12+s12+$0x0] =	vst.idx.add.f32.msk $0xffff, v59  }
0x6b: {  	v19 =	vbroadcast v11, $0x2;
	v13 =	vld [tilespmem:s17+$0xFFFFFD00];
	_ =	sdelay $0x1  }
0x6c: {  	v20 =	vor.u32 v0, v19  }
0x6d: {  	v21 =	vbroadcast v10, $0x2;
	_ =	sdelay $0x1  }
0x6e: {  	v13 =	vmul.f32 v13, v21;
	_ =	sdelay $0x1  }
0x6f: {  	[tilespmem:v20+s12+$0x0] =	vst.idx.add.f32.msk $0xffff, v13  }
0x70: {  	v13 =	vld [tilespmem:s17+$0xFFFFFD10];
	_ =	sdelay $0x1  }
0x71: {  	v22 =	vadd.s32 v2, v19;
	_ =	sdelay $0x2  }
0x72: {  	v13 =	vmul.f32 v13, v21;
	_ =	sdelay $0x1  }
0x73: {  	[tilespmem:v22+s12+$0x0] =	vst.idx.add.f32.msk $0xffff, v13  }
0x74: {  	v13 =	vld [tilespmem:s17+$0xFFFFFD20];
	_ =	sdelay $0x1  }
0x75: {  	v23 =	vadd.s32 v3, v19;
	_ =	sdelay $0x2  }
0x76: {  	v13 =	vmul.f32 v13, v21;
	_ =	sdelay $0x1  }
0x77: {  	[tilespmem:v23+s12+$0x0] =	vst.idx.add.f32.msk $0xffff, v13  }
0x78: {  	v13 =	vld [tilespmem:s17+$0xFFFFFD30];
	_ =	sdelay $0x1  }
0x79: {  	v24 =	vadd.s32 v4, v19;
	_ =	sdelay $0x2  }
0x7a: {  	v13 =	vmul.f32 v13, v21;
	_ =	sdelay $0x1  }
0x7b: {  	[tilespmem:v24+s12+$0x0] =	vst.idx.add.f32.msk $0xffff, v13  }
0x7c: {  	v13 =	vld [tilespmem:s17+$0xFFFFFD40];
	_ =	sdelay $0x1  }
0x7d: {  	v25 =	vadd.s32 v5, v19;
	_ =	sdelay $0x2  }
0x7e: {  	v13 =	vmul.f32 v13, v21;
	_ =	sdelay $0x1  }
0x7f: {  	[tilespmem:v25+s12+$0x0] =	vst.idx.add.f32.msk $0xffff, v13  }
0x80: {  	v13 =	vld [tilespmem:s17+$0xFFFFFD50];
	_ =	sdelay $0x1  }
0x81: {  	v26 =	vadd.s32 v6, v19;
	_ =	sdelay $0x2  }
0x82: {  	v13 =	vmul.f32 v13, v21;
	_ =	sdelay $0x1  }
0x83: {  	[tilespmem:v26+s12+$0x0] =	vst.idx.add.f32.msk $0xffff, v13  }
0x84: {  	v13 =	vld [tilespmem:s17+$0xFFFFFD60];
	_ =	sdelay $0x1  }
0x85: {  	v27 =	vadd.s32 v7, v19;
	_ =	sdelay $0x2  }
0x86: {  	v13 =	vmul.f32 v13, v21;
	_ =	sdelay $0x1  }
0x87: {  	[tilespmem:v27+s12+$0x0] =	vst.idx.add.f32.msk $0xffff, v13  }
0x88: {  	v13 =	vld [tilespmem:s17+$0xFFFFFD70];
	_ =	sdelay $0x1  }
0x89: {  	v28 =	vadd.s32 v8, v19  }
0x8a: {  	v12 =	vadd.s32 v9, v19;
	_ =	sdelay $0x1  }
0x8b: {  	v13 =	vmul.f32 v13, v21;
	_ =	sdelay $0x1  }
0x8c: {  	[tilespmem:v28+s12+$0x0] =	vst.idx.add.f32.msk $0xffff, v13  }
0x8d: {  	[tilespmem:v12+s12+$0x0] =	vst.idx.add.f32.msk $0xffff, v21  }
0x8e: {  	v29 =	vbroadcast v11, $0x3;
	v13 =	vld [tilespmem:s17+$0xFFFFFD80];
	_ =	sdelay $0x1  }
0x8f: {  	v30 =	vor.u32 v0, v29  }
0x90: {  	v31 =	vbroadcast v10, $0x3;
	_ =	sdelay $0x1  }
0x91: {  	v13 =	vmul.f32 v13, v31;
	_ =	sdelay $0x1  }
0x92: {  	[tilespmem:v30+s12+$0x0] =	vst.idx.add.f32.msk $0xffff, v13  }
0x93: {  	v13 =	vld [tilespmem:s17+$0xFFFFFD90];
	_ =	sdelay $0x1  }
0x94: {  	v32 =	vadd.s32 v2, v29;
	_ =	sdelay $0x2  }
0x95: {  	v13 =	vmul.f32 v13, v31;
	_ =	sdelay $0x1  }
0x96: {  	[tilespmem:v32+s12+$0x0] =	vst.idx.add.f32.msk $0xffff, v13  }
0x97: {  	v13 =	vld [tilespmem:s17+$0xFFFFFDA0];
	_ =	sdelay $0x1  }
0x98: {  	v33 =	vadd.s32 v3, v29;
	_ =	sdelay $0x2  }
0x99: {  	v13 =	vmul.f32 v13, v31;
	_ =	sdelay $0x1  }
0x9a: {  	[tilespmem:v33+s12+$0x0] =	vst.idx.add.f32.msk $0xffff, v13  }
0x9b: {  	v13 =	vld [tilespmem:s17+$0xFFFFFDB0];
	_ =	sdelay $0x1  }
0x9c: {  	v34 =	vadd.s32 v4, v29;
	_ =	sdelay $0x2  }
0x9d: {  	v13 =	vmul.f32 v13, v31;
	_ =	sdelay $0x1  }
0x9e: {  	[tilespmem:v34+s12+$0x0] =	vst.idx.add.f32.msk $0xffff, v13  }
0x9f: {  	v13 =	vld [tilespmem:s17+$0xFFFFFDC0];
	_ =	sdelay $0x1  }
0xa0: {  	v35 =	vadd.s32 v5, v29;
	_ =	sdelay $0x2  }
0xa1: {  	v13 =	vmul.f32 v13, v31;
	_ =	sdelay $0x1  }
0xa2: {  	[tilespmem:v35+s12+$0x0] =	vst.idx.add.f32.msk $0xffff, v13  }
0xa3: {  	v13 =	vld [tilespmem:s17+$0xFFFFFDD0];
	_ =	sdelay $0x1  }
0xa4: {  	v36 =	vadd.s32 v6, v29;
	_ =	sdelay $0x2  }
0xa5: {  	v13 =	vmul.f32 v13, v31;
	_ =	sdelay $0x1  }
0xa6: {  	[tilespmem:v36+s12+$0x0] =	vst.idx.add.f32.msk $0xffff, v13  }
0xa7: {  	v13 =	vld [tilespmem:s17+$0xFFFFFDE0];
	_ =	sdelay $0x1  }
0xa8: {  	v37 =	vadd.s32 v7, v29;
	_ =	sdelay $0x2  }
0xa9: {  	v13 =	vmul.f32 v13, v31;
	_ =	sdelay $0x1  }
0xaa: {  	[tilespmem:v37+s12+$0x0] =	vst.idx.add.f32.msk $0xffff, v13  }
0xab: {  	v13 =	vld [tilespmem:s17+$0xFFFFFDF0];
	_ =	sdelay $0x1  }
0xac: {  	v38 =	vadd.s32 v8, v29  }
0xad: {  	v12 =	vadd.s32 v9, v29;
	_ =	sdelay $0x1  }
0xae: {  	v13 =	vmul.f32 v13, v31;
	_ =	sdelay $0x1  }
0xaf: {  	[tilespmem:v38+s12+$0x0] =	vst.idx.add.f32.msk $0xffff, v13  }
0xb0: {  	[tilespmem:v12+s12+$0x0] =	vst.idx.add.f32.msk $0xffff, v31  }
0xb1: {  	v39 =	vbroadcast v11, $0x4;
	v13 =	vld [tilespmem:s17+$0xFFFFFE00];
	_ =	sdelay $0x1  }
0xb2: {  	v40 =	vor.u32 v0, v39  }
0xb3: {  	v41 =	vbroadcast v10, $0x4;
	_ =	sdelay $0x1  }
0xb4: {  	v13 =	vmul.f32 v13, v41;
	_ =	sdelay $0x1  }
0xb5: {  	[tilespmem:v40+s12+$0x0] =	vst.idx.add.f32.msk $0xffff, v13  }
0xb6: {  	v13 =	vld [tilespmem:s17+$0xFFFFFE10];
	_ =	sdelay $0x1  }
0xb7: {  	v42 =	vadd.s32 v2, v39;
	_ =	sdelay $0x2  }
0xb8: {  	v13 =	vmul.f32 v13, v41;
	_ =	sdelay $0x1  }
0xb9: {  	[tilespmem:v42+s12+$0x0] =	vst.idx.add.f32.msk $0xffff, v13  }
0xba: {  	v13 =	vld [tilespmem:s17+$0xFFFFFE20];
	_ =	sdelay $0x1  }
0xbb: {  	v43 =	vadd.s32 v3, v39;
	_ =	sdelay $0x2  }
0xbc: {  	v13 =	vmul.f32 v13, v41;
	_ =	sdelay $0x1  }
0xbd: {  	[tilespmem:v43+s12+$0x0] =	vst.idx.add.f32.msk $0xffff, v13  }
0xbe: {  	v13 =	vld [tilespmem:s17+$0xFFFFFE30];
	_ =	sdelay $0x1  }
0xbf: {  	v44 =	vadd.s32 v4, v39;
	_ =	sdelay $0x2  }
0xc0: {  	v13 =	vmul.f32 v13, v41;
	_ =	sdelay $0x1  }
0xc1: {  	[tilespmem:v44+s12+$0x0] =	vst.idx.add.f32.msk $0xffff, v13  }
0xc2: {  	v13 =	vld [tilespmem:s17+$0xFFFFFE40];
	_ =	sdelay $0x1  }
0xc3: {  	v45 =	vadd.s32 v5, v39;
	_ =	sdelay $0x2  }
0xc4: {  	v13 =	vmul.f32 v13, v41;
	_ =	sdelay $0x1  }
0xc5: {  	[tilespmem:v45+s12+$0x0] =	vst.idx.add.f32.msk $0xffff, v13  }
0xc6: {  	v13 =	vld [tilespmem:s17+$0xFFFFFE50];
	_ =	sdelay $0x1  }
0xc7: {  	v46 =	vadd.s32 v6, v39;
	_ =	sdelay $0x2  }
0xc8: {  	v13 =	vmul.f32 v13, v41;
	_ =	sdelay $0x1  }
0xc9: {  	[tilespmem:v46+s12+$0x0] =	vst.idx.add.f32.msk $0xffff, v13  }
0xca: {  	v13 =	vld [tilespmem:s17+$0xFFFFFE60];
	_ =	sdelay $0x1  }
0xcb: {  	v47 =	vadd.s32 v7, v39;
	_ =	sdelay $0x2  }
0xcc: {  	v13 =	vmul.f32 v13, v41;
	_ =	sdelay $0x1  }
0xcd: {  	[tilespmem:v47+s12+$0x0] =	vst.idx.add.f32.msk $0xffff, v13  }
0xce: {  	v13 =	vld [tilespmem:s17+$0xFFFFFE70];
	_ =	sdelay $0x1  }
0xcf: {  	v48 =	vadd.s32 v8, v39  }
0xd0: {  	v12 =	vadd.s32 v9, v39;
	_ =	sdelay $0x1  }
0xd1: {  	v13 =	vmul.f32 v13, v41;
	_ =	sdelay $0x1  }
0xd2: {  	[tilespmem:v48+s12+$0x0] =	vst.idx.add.f32.msk $0xffff, v13  }
0xd3: {  	[tilespmem:v12+s12+$0x0] =	vst.idx.add.f32.msk $0xffff, v41  }
0xd4: {  	v49 =	vbroadcast v11, $0x5;
	v13 =	vld [tilespmem:s17+$0xFFFFFE80];
	_ =	sdelay $0x1  }
0xd5: {  	v50 =	vor.u32 v0, v49  }
0xd6: {  	v51 =	vbroadcast v10, $0x5;
	_ =	sdelay $0x1  }
0xd7: {  	v13 =	vmul.f32 v13, v51;
	_ =	sdelay $0x1  }
0xd8: {  	[tilespmem:v50+s12+$0x0] =	vst.idx.add.f32.msk $0xffff, v13  }
0xd9: {  	v13 =	vld [tilespmem:s17+$0xFFFFFE90];
	_ =	sdelay $0x1  }
0xda: {  	v52 =	vadd.s32 v2, v49;
	_ =	sdelay $0x2  }
0xdb: {  	v13 =	vmul.f32 v13, v51;
	_ =	sdelay $0x1  }
0xdc: {  	[tilespmem:v52+s12+$0x0] =	vst.idx.add.f32.msk $0xffff, v13  }
0xdd: {  	v13 =	vld [tilespmem:s17+$0xFFFFFEA0];
	_ =	sdelay $0x1  }
0xde: {  	v53 =	vadd.s32 v3, v49;
	_ =	sdelay $0x2  }
0xdf: {  	v13 =	vmul.f32 v13, v51;
	_ =	sdelay $0x1  }
0xe0: {  	[tilespmem:v53+s12+$0x0] =	vst.idx.add.f32.msk $0xffff, v13  }
0xe1: {  	v13 =	vld [tilespmem:s17+$0xFFFFFEB0];
	_ =	sdelay $0x1  }
0xe2: {  	v54 =	vadd.s32 v4, v49;
	_ =	sdelay $0x2  }
0xe3: {  	v13 =	vmul.f32 v13, v51;
	_ =	sdelay $0x1  }
0xe4: {  	[tilespmem:v54+s12+$0x0] =	vst.idx.add.f32.msk $0xffff, v13  }
0xe5: {  	v13 =	vld [tilespmem:s17+$0xFFFFFEC0];
	_ =	sdelay $0x1  }
0xe6: {  	v55 =	vadd.s32 v5, v49;
	_ =	sdelay $0x2  }
0xe7: {  	v13 =	vmul.f32 v13, v51;
	_ =	sdelay $0x1  }
0xe8: {  	[tilespmem:v55+s12+$0x0] =	vst.idx.add.f32.msk $0xffff, v13  }
0xe9: {  	v13 =	vld [tilespmem:s17+$0xFFFFFED0];
	_ =	sdelay $0x1  }
0xea: {  	v56 =	vadd.s32 v6, v49;
	_ =	sdelay $0x2  }
0xeb: {  	v13 =	vmul.f32 v13, v51;
	_ =	sdelay $0x1  }
0xec: {  	[tilespmem:v56+s12+$0x0] =	vst.idx.add.f32.msk $0xffff, v13  }
0xed: {  	v13 =	vld [tilespmem:s17+$0xFFFFFEE0];
	_ =	sdelay $0x1  }
0xee: {  	v57 =	vadd.s32 v7, v49;
	_ =	sdelay $0x2  }
0xef: {  	v13 =	vmul.f32 v13, v51;
	_ =	sdelay $0x1  }
0xf0: {  	[tilespmem:v57+s12+$0x0] =	vst.idx.add.f32.msk $0xffff, v13  }
0xf1: {  	v13 =	vld [tilespmem:s17+$0xFFFFFEF0];
	_ =	sdelay $0x1  }
0xf2: {  	v58 =	vadd.s32 v8, v49  }
0xf3: {  	v12 =	vadd.s32 v9, v49;
	_ =	sdelay $0x1  }
0xf4: {  	v13 =	vmul.f32 v13, v51;
	_ =	sdelay $0x1  }
0xf5: {  	[tilespmem:v58+s12+$0x0] =	vst.idx.add.f32.msk $0xffff, v13  }
0xf6: {  	[tilespmem:v12+s12+$0x0] =	vst.idx.add.f32.msk $0xffff, v51  }
0xf7: {  	v59 =	vbroadcast v11, $0x6;
	v13 =	vld [tilespmem:s17+$0xFFFFFF00];
	_ =	sdelay $0x1  }
0xf8: {  	v60 =	vor.u32 v0, v59  }
0xf9: {  	v61 =	vbroadcast v10, $0x6;
	_ =	sdelay $0x1  }
0xfa: {  	v13 =	vmul.f32 v13, v61;
	_ =	sdelay $0x1  }
0xfb: {  	[tilespmem:v60+s12+$0x0] =	vst.idx.add.f32.msk $0xffff, v13  }
0xfc: {  	v13 =	vld [tilespmem:s17+$0xFFFFFF10];
	_ =	sdelay $0x1  }
0xfd: {  	v62 =	vadd.s32 v2, v59;
	_ =	sdelay $0x2  }
0xfe: {  	v13 =	vmul.f32 v13, v61;
	_ =	sdelay $0x1  }
0xff: {  	[tilespmem:v62+s12+$0x0] =	vst.idx.add.f32.msk $0xffff, v13  }
0x100: {  	v13 =	vld [tilespmem:s17+$0xFFFFFF20];
	_ =	sdelay $0x1  }
0x101: {  	v63 =	vadd.s32 v3, v59;
	_ =	sdelay $0x2  }
0x102: {  	v13 =	vmul.f32 v13, v61;
	_ =	sdelay $0x1  }
0x103: {  	[tilespmem:v63+s12+$0x0] =	vst.idx.add.f32.msk $0xffff, v13  }
0x104: {  	v13 =	vld [tilespmem:s17+$0xFFFFFF30];
	_ =	sdelay $0x1  }
0x105: {  	v16 =	vadd.s32 v4, v59;
	_ =	sdelay $0x2  }
0x106: {  	v13 =	vmul.f32 v13, v61;
	_ =	sdelay $0x1  }
0x107: {  	[tilespmem:v16+s12+$0x0] =	vst.idx.add.f32.msk $0xffff, v13  }
0x108: {  	v13 =	vld [tilespmem:s17+$0xFFFFFF40];
	_ =	sdelay $0x1  }
0x109: {  	v17 =	vadd.s32 v5, v59;
	_ =	sdelay $0x2  }
0x10a: {  	v13 =	vmul.f32 v13, v61;
	_ =	sdelay $0x1  }
0x10b: {  	[tilespmem:v17+s12+$0x0] =	vst.idx.add.f32.msk $0xffff, v13  }
0x10c: {  	v13 =	vld [tilespmem:s17+$0xFFFFFF50];
	_ =	sdelay $0x1  }
0x10d: {  	v18 =	vadd.s32 v6, v59;
	_ =	sdelay $0x2  }
0x10e: {  	v13 =	vmul.f32 v13, v61;
	_ =	sdelay $0x1  }
0x10f: {  	[tilespmem:v18+s12+$0x0] =	vst.idx.add.f32.msk $0xffff, v13  }
0x110: {  	v13 =	vld [tilespmem:s17+$0xFFFFFF60];
	_ =	sdelay $0x1  }
0x111: {  	v19 =	vadd.s32 v7, v59;
	_ =	sdelay $0x2  }
0x112: {  	v13 =	vmul.f32 v13, v61;
	_ =	sdelay $0x1  }
0x113: {  	[tilespmem:v19+s12+$0x0] =	vst.idx.add.f32.msk $0xffff, v13  }
0x114: {  	v13 =	vld [tilespmem:s17+$0xFFFFFF70];
	_ =	sdelay $0x1  }
0x115: {  	v20 =	vadd.s32 v8, v59  }
0x116: {  	v12 =	vadd.s32 v9, v59;
	_ =	sdelay $0x1  }
0x117: {  	v13 =	vmul.f32 v13, v61;
	_ =	sdelay $0x1  }
0x118: {  	[tilespmem:v20+s12+$0x0] =	vst.idx.add.f32.msk $0xffff, v13  }
0x119: {  	[tilespmem:v12+s12+$0x0] =	vst.idx.add.f32.msk $0xffff, v61  }
0x11a: {  	v21 =	vbroadcast v11, $0x7;
	v13 =	vld [tilespmem:s17+$0xFFFFFF80];
	_ =	sdelay $0x1  }
0x11b: {  	v22 =	vor.u32 v0, v21  }
0x11c: {  	v23 =	vbroadcast v10, $0x7;
	_ =	sdelay $0x1  }
0x11d: {  	v13 =	vmul.f32 v13, v23;
	_ =	sdelay $0x1  }
0x11e: {  	[tilespmem:v22+s12+$0x0] =	vst.idx.add.f32.msk $0xffff, v13  }
0x11f: {  	v13 =	vld [tilespmem:s17+$0xFFFFFF90];
	_ =	sdelay $0x1  }
0x120: {  	v24 =	vadd.s32 v2, v21;
	_ =	sdelay $0x2  }
0x121: {  	v13 =	vmul.f32 v13, v23;
	_ =	sdelay $0x1  }
0x122: {  	[tilespmem:v24+s12+$0x0] =	vst.idx.add.f32.msk $0xffff, v13  }
0x123: {  	v13 =	vld [tilespmem:s17+$0xFFFFFFA0];
	_ =	sdelay $0x1  }
0x124: {  	v25 =	vadd.s32 v3, v21;
	_ =	sdelay $0x2  }
0x125: {  	v13 =	vmul.f32 v13, v23;
	_ =	sdelay $0x1  }
0x126: {  	[tilespmem:v25+s12+$0x0] =	vst.idx.add.f32.msk $0xffff, v13  }
0x127: {  	v13 =	vld [tilespmem:s17+$0xFFFFFFB0];
	_ =	sdelay $0x1  }
0x128: {  	v26 =	vadd.s32 v4, v21;
	_ =	sdelay $0x2  }
0x129: {  	v13 =	vmul.f32 v13, v23;
	_ =	sdelay $0x1  }
0x12a: {  	[tilespmem:v26+s12+$0x0] =	vst.idx.add.f32.msk $0xffff, v13  }
0x12b: {  	v13 =	vld [tilespmem:s17+$0xFFFFFFC0];
	_ =	sdelay $0x1  }
0x12c: {  	v27 =	vadd.s32 v5, v21;
	_ =	sdelay $0x2  }
0x12d: {  	v13 =	vmul.f32 v13, v23;
	_ =	sdelay $0x1  }
0x12e: {  	[tilespmem:v27+s12+$0x0] =	vst.idx.add.f32.msk $0xffff, v13  }
0x12f: {  	v13 =	vld [tilespmem:s17+$0xFFFFFFD0];
	_ =	sdelay $0x1  }
0x130: {  	v28 =	vadd.s32 v6, v21;
	_ =	sdelay $0x2  }
0x131: {  	v13 =	vmul.f32 v13, v23;
	_ =	sdelay $0x1  }
0x132: {  	[tilespmem:v28+s12+$0x0] =	vst.idx.add.f32.msk $0xffff, v13  }
0x133: {  	v13 =	vld [tilespmem:s17+$0xFFFFFFE0];
	_ =	sdelay $0x1  }
0x134: {  	v29 =	vadd.s32 v7, v21;
	_ =	sdelay $0x2  }
0x135: {  	v13 =	vmul.f32 v13, v23;
	_ =	sdelay $0x1  }
0x136: {  	[tilespmem:v29+s12+$0x0] =	vst.idx.add.f32.msk $0xffff, v13  }
0x137: {  	v13 =	vld [tilespmem:s17+$0xFFFFFFF0];
	_ =	sdelay $0x1  }
0x138: {  	v30 =	vadd.s32 v8, v21  }
0x139: {  	v12 =	vadd.s32 v9, v21;
	_ =	sdelay $0x1  }
0x13a: {  	v13 =	vmul.f32 v13, v23;
	_ =	sdelay $0x1  }
0x13b: {  	[tilespmem:v30+s12+$0x0] =	vst.idx.add.f32.msk $0xffff, v13  }
0x13c: {  	[tilespmem:v12+s12+$0x0] =	vst.idx.add.f32.msk $0xffff, v23  }
0x13d: {  	v31 =	vbroadcast v11, $0x8;
	v13 =	vld [tilespmem:s17+$0x0];
	_ =	sdelay $0x1  }
0x13e: {  	v32 =	vor.u32 v0, v31  }
0x13f: {  	v33 =	vbroadcast v10, $0x8;
	_ =	sdelay $0x1  }
0x140: {  	v13 =	vmul.f32 v13, v33;
	_ =	sdelay $0x1  }
0x141: {  	[tilespmem:v32+s12+$0x0] =	vst.idx.add.f32.msk $0xffff, v13  }
0x142: {  	v13 =	vld [tilespmem:s17+$0x10];
	_ =	sdelay $0x1  }
0x143: {  	v34 =	vadd.s32 v2, v31;
	_ =	sdelay $0x2  }
0x144: {  	v13 =	vmul.f32 v13, v33;
	_ =	sdelay $0x1  }
0x145: {  	[tilespmem:v34+s12+$0x0] =	vst.idx.add.f32.msk $0xffff, v13  }
0x146: {  	v13 =	vld [tilespmem:s17+$0x20];
	_ =	sdelay $0x1  }
0x147: {  	v35 =	vadd.s32 v3, v31;
	_ =	sdelay $0x2  }
0x148: {  	v13 =	vmul.f32 v13, v33;
	_ =	sdelay $0x1  }
0x149: {  	[tilespmem:v35+s12+$0x0] =	vst.idx.add.f32.msk $0xffff, v13  }
0x14a: {  	v13 =	vld [tilespmem:s17+$0x30];
	_ =	sdelay $0x1  }
0x14b: {  	v36 =	vadd.s32 v4, v31;
	_ =	sdelay $0x2  }
0x14c: {  	v13 =	vmul.f32 v13, v33;
	_ =	sdelay $0x1  }
0x14d: {  	[tilespmem:v36+s12+$0x0] =	vst.idx.add.f32.msk $0xffff, v13  }
0x14e: {  	v13 =	vld [tilespmem:s17+$0x40];
	_ =	sdelay $0x1  }
0x14f: {  	v37 =	vadd.s32 v5, v31;
	_ =	sdelay $0x2  }
0x150: {  	v13 =	vmul.f32 v13, v33;
	_ =	sdelay $0x1  }
0x151: {  	[tilespmem:v37+s12+$0x0] =	vst.idx.add.f32.msk $0xffff, v13  }
0x152: {  	v13 =	vld [tilespmem:s17+$0x50];
	_ =	sdelay $0x1  }
0x153: {  	v38 =	vadd.s32 v6, v31;
	_ =	sdelay $0x2  }
0x154: {  	v13 =	vmul.f32 v13, v33;
	_ =	sdelay $0x1  }
0x155: {  	[tilespmem:v38+s12+$0x0] =	vst.idx.add.f32.msk $0xffff, v13  }
0x156: {  	v13 =	vld [tilespmem:s17+$0x60];
	_ =	sdelay $0x1  }
0x157: {  	v39 =	vadd.s32 v7, v31;
	_ =	sdelay $0x2  }
0x158: {  	v13 =	vmul.f32 v13, v33;
	_ =	sdelay $0x1  }
0x159: {  	[tilespmem:v39+s12+$0x0] =	vst.idx.add.f32.msk $0xffff, v13  }
0x15a: {  	v13 =	vld [tilespmem:s17+$0x70];
	_ =	sdelay $0x1  }
0x15b: {  	v40 =	vadd.s32 v8, v31  }
0x15c: {  	v12 =	vadd.s32 v9, v31;
	_ =	sdelay $0x1  }
0x15d: {  	v13 =	vmul.f32 v13, v33;
	_ =	sdelay $0x1  }
0x15e: {  	[tilespmem:v40+s12+$0x0] =	vst.idx.add.f32.msk $0xffff, v13  }
0x15f: {  	[tilespmem:v12+s12+$0x0] =	vst.idx.add.f32.msk $0xffff, v33  }
0x160: {  	v41 =	vbroadcast v11, $0x9;
	v13 =	vld [tilespmem:s17+$0x80];
	_ =	sdelay $0x1  }
0x161: {  	v42 =	vor.u32 v0, v41  }
0x162: {  	v43 =	vbroadcast v10, $0x9;
	_ =	sdelay $0x1  }
0x163: {  	v13 =	vmul.f32 v13, v43;
	_ =	sdelay $0x1  }
0x164: {  	[tilespmem:v42+s12+$0x0] =	vst.idx.add.f32.msk $0xffff, v13  }
0x165: {  	v13 =	vld [tilespmem:s17+$0x90];
	_ =	sdelay $0x1  }
0x166: {  	v44 =	vadd.s32 v2, v41;
	_ =	sdelay $0x2  }
0x167: {  	v13 =	vmul.f32 v13, v43;
	_ =	sdelay $0x1  }
0x168: {  	[tilespmem:v44+s12+$0x0] =	vst.idx.add.f32.msk $0xffff, v13  }
0x169: {  	v13 =	vld [tilespmem:s17+$0xA0];
	_ =	sdelay $0x1  }
0x16a: {  	v45 =	vadd.s32 v3, v41;
	_ =	sdelay $0x2  }
0x16b: {  	v13 =	vmul.f32 v13, v43;
	_ =	sdelay $0x1  }
0x16c: {  	[tilespmem:v45+s12+$0x0] =	vst.idx.add.f32.msk $0xffff, v13  }
0x16d: {  	v13 =	vld [tilespmem:s17+$0xB0];
	_ =	sdelay $0x1  }
0x16e: {  	v46 =	vadd.s32 v4, v41;
	_ =	sdelay $0x2  }
0x16f: {  	v13 =	vmul.f32 v13, v43;
	_ =	sdelay $0x1  }
0x170: {  	[tilespmem:v46+s12+$0x0] =	vst.idx.add.f32.msk $0xffff, v13  }
0x171: {  	v13 =	vld [tilespmem:s17+$0xC0];
	_ =	sdelay $0x1  }
0x172: {  	v47 =	vadd.s32 v5, v41;
	_ =	sdelay $0x2  }
0x173: {  	v13 =	vmul.f32 v13, v43;
	_ =	sdelay $0x1  }
0x174: {  	[tilespmem:v47+s12+$0x0] =	vst.idx.add.f32.msk $0xffff, v13  }
0x175: {  	v13 =	vld [tilespmem:s17+$0xD0];
	_ =	sdelay $0x1  }
0x176: {  	v48 =	vadd.s32 v6, v41;
	_ =	sdelay $0x2  }
0x177: {  	v13 =	vmul.f32 v13, v43;
	_ =	sdelay $0x1  }
0x178: {  	[tilespmem:v48+s12+$0x0] =	vst.idx.add.f32.msk $0xffff, v13  }
0x179: {  	v13 =	vld [tilespmem:s17+$0xE0];
	_ =	sdelay $0x1  }
0x17a: {  	v49 =	vadd.s32 v7, v41;
	_ =	sdelay $0x2  }
0x17b: {  	v13 =	vmul.f32 v13, v43;
	_ =	sdelay $0x1  }
0x17c: {  	[tilespmem:v49+s12+$0x0] =	vst.idx.add.f32.msk $0xffff, v13  }
0x17d: {  	v13 =	vld [tilespmem:s17+$0xF0];
	_ =	sdelay $0x1  }
0x17e: {  	v50 =	vadd.s32 v8, v41  }
0x17f: {  	v12 =	vadd.s32 v9, v41;
	_ =	sdelay $0x1  }
0x180: {  	v13 =	vmul.f32 v13, v43;
	_ =	sdelay $0x1  }
0x181: {  	[tilespmem:v50+s12+$0x0] =	vst.idx.add.f32.msk $0xffff, v13  }
0x182: {  	[tilespmem:v12+s12+$0x0] =	vst.idx.add.f32.msk $0xffff, v43  }
0x183: {  	v51 =	vbroadcast v11, $0xA;
	v13 =	vld [tilespmem:s17+$0x100];
	_ =	sdelay $0x1  }
0x184: {  	v52 =	vor.u32 v0, v51  }
0x185: {  	v53 =	vbroadcast v10, $0xA;
	_ =	sdelay $0x1  }
0x186: {  	v13 =	vmul.f32 v13, v53;
	_ =	sdelay $0x1  }
0x187: {  	[tilespmem:v52+s12+$0x0] =	vst.idx.add.f32.msk $0xffff, v13  }
0x188: {  	v13 =	vld [tilespmem:s17+$0x110];
	_ =	sdelay $0x1  }
0x189: {  	v54 =	vadd.s32 v2, v51;
	_ =	sdelay $0x2  }
0x18a: {  	v13 =	vmul.f32 v13, v53;
	_ =	sdelay $0x1  }
0x18b: {  	[tilespmem:v54+s12+$0x0] =	vst.idx.add.f32.msk $0xffff, v13  }
0x18c: {  	v13 =	vld [tilespmem:s17+$0x120];
	_ =	sdelay $0x1  }
0x18d: {  	v55 =	vadd.s32 v3, v51;
	_ =	sdelay $0x2  }
0x18e: {  	v13 =	vmul.f32 v13, v53;
	_ =	sdelay $0x1  }
0x18f: {  	[tilespmem:v55+s12+$0x0] =	vst.idx.add.f32.msk $0xffff, v13  }
0x190: {  	v13 =	vld [tilespmem:s17+$0x130];
	_ =	sdelay $0x1  }
0x191: {  	v56 =	vadd.s32 v4, v51;
	_ =	sdelay $0x2  }
0x192: {  	v13 =	vmul.f32 v13, v53;
	_ =	sdelay $0x1  }
0x193: {  	[tilespmem:v56+s12+$0x0] =	vst.idx.add.f32.msk $0xffff, v13  }
0x194: {  	v13 =	vld [tilespmem:s17+$0x140];
	_ =	sdelay $0x1  }
0x195: {  	v57 =	vadd.s32 v5, v51;
	_ =	sdelay $0x2  }
0x196: {  	v13 =	vmul.f32 v13, v53;
	_ =	sdelay $0x1  }
0x197: {  	[tilespmem:v57+s12+$0x0] =	vst.idx.add.f32.msk $0xffff, v13  }
0x198: {  	v13 =	vld [tilespmem:s17+$0x150];
	_ =	sdelay $0x1  }
0x199: {  	v58 =	vadd.s32 v6, v51;
	_ =	sdelay $0x2  }
0x19a: {  	v13 =	vmul.f32 v13, v53;
	_ =	sdelay $0x1  }
0x19b: {  	[tilespmem:v58+s12+$0x0] =	vst.idx.add.f32.msk $0xffff, v13  }
0x19c: {  	v13 =	vld [tilespmem:s17+$0x160];
	_ =	sdelay $0x1  }
0x19d: {  	v59 =	vadd.s32 v7, v51;
	_ =	sdelay $0x2  }
0x19e: {  	v13 =	vmul.f32 v13, v53;
	_ =	sdelay $0x1  }
0x19f: {  	[tilespmem:v59+s12+$0x0] =	vst.idx.add.f32.msk $0xffff, v13  }
0x1a0: {  	v13 =	vld [tilespmem:s17+$0x170];
	_ =	sdelay $0x1  }
0x1a1: {  	v60 =	vadd.s32 v8, v51  }
0x1a2: {  	v12 =	vadd.s32 v9, v51;
	_ =	sdelay $0x1  }
0x1a3: {  	v13 =	vmul.f32 v13, v53;
	_ =	sdelay $0x1  }
0x1a4: {  	[tilespmem:v60+s12+$0x0] =	vst.idx.add.f32.msk $0xffff, v13  }
0x1a5: {  	[tilespmem:v12+s12+$0x0] =	vst.idx.add.f32.msk $0xffff, v53  }
0x1a6: {  	v61 =	vbroadcast v11, $0xB;
	v13 =	vld [tilespmem:s17+$0x180];
	_ =	sdelay $0x1  }
0x1a7: {  	v62 =	vor.u32 v0, v61  }
0x1a8: {  	v63 =	vbroadcast v10, $0xB;
	_ =	sdelay $0x1  }
0x1a9: {  	v13 =	vmul.f32 v13, v63;
	_ =	sdelay $0x1  }
0x1aa: {  	[tilespmem:v62+s12+$0x0] =	vst.idx.add.f32.msk $0xffff, v13  }
0x1ab: {  	v13 =	vld [tilespmem:s17+$0x190];
	_ =	sdelay $0x1  }
0x1ac: {  	v18 =	vadd.s32 v2, v61;
	_ =	sdelay $0x2  }
0x1ad: {  	v13 =	vmul.f32 v13, v63;
	_ =	sdelay $0x1  }
0x1ae: {  	[tilespmem:v18+s12+$0x0] =	vst.idx.add.f32.msk $0xffff, v13  }
0x1af: {  	v13 =	vld [tilespmem:s17+$0x1A0];
	_ =	sdelay $0x1  }
0x1b0: {  	v19 =	vadd.s32 v3, v61;
	_ =	sdelay $0x2  }
0x1b1: {  	v13 =	vmul.f32 v13, v63;
	_ =	sdelay $0x1  }
0x1b2: {  	[tilespmem:v19+s12+$0x0] =	vst.idx.add.f32.msk $0xffff, v13  }
0x1b3: {  	v13 =	vld [tilespmem:s17+$0x1B0];
	_ =	sdelay $0x1  }
0x1b4: {  	v20 =	vadd.s32 v4, v61;
	_ =	sdelay $0x2  }
0x1b5: {  	v13 =	vmul.f32 v13, v63;
	_ =	sdelay $0x1  }
0x1b6: {  	[tilespmem:v20+s12+$0x0] =	vst.idx.add.f32.msk $0xffff, v13  }
0x1b7: {  	v13 =	vld [tilespmem:s17+$0x1C0];
	_ =	sdelay $0x1  }
0x1b8: {  	v21 =	vadd.s32 v5, v61;
	_ =	sdelay $0x2  }
0x1b9: {  	v13 =	vmul.f32 v13, v63;
	_ =	sdelay $0x1  }
0x1ba: {  	[tilespmem:v21+s12+$0x0] =	vst.idx.add.f32.msk $0xffff, v13  }
0x1bb: {  	v13 =	vld [tilespmem:s17+$0x1D0];
	_ =	sdelay $0x1  }
0x1bc: {  	v22 =	vadd.s32 v6, v61;
	_ =	sdelay $0x2  }
0x1bd: {  	v13 =	vmul.f32 v13, v63;
	_ =	sdelay $0x1  }
0x1be: {  	[tilespmem:v22+s12+$0x0] =	vst.idx.add.f32.msk $0xffff, v13  }
0x1bf: {  	v13 =	vld [tilespmem:s17+$0x1E0];
	_ =	sdelay $0x1  }
0x1c0: {  	v23 =	vadd.s32 v7, v61;
	_ =	sdelay $0x2  }
0x1c1: {  	v13 =	vmul.f32 v13, v63;
	_ =	sdelay $0x1  }
0x1c2: {  	[tilespmem:v23+s12+$0x0] =	vst.idx.add.f32.msk $0xffff, v13  }
0x1c3: {  	v13 =	vld [tilespmem:s17+$0x1F0];
	_ =	sdelay $0x1  }
0x1c4: {  	v24 =	vadd.s32 v8, v61  }
0x1c5: {  	v12 =	vadd.s32 v9, v61;
	_ =	sdelay $0x1  }
0x1c6: {  	v13 =	vmul.f32 v13, v63;
	_ =	sdelay $0x1  }
0x1c7: {  	[tilespmem:v24+s12+$0x0] =	vst.idx.add.f32.msk $0xffff, v13  }
0x1c8: {  	[tilespmem:v12+s12+$0x0] =	vst.idx.add.f32.msk $0xffff, v63  }
0x1c9: {  	v25 =	vbroadcast v11, $0xC;
	v13 =	vld [tilespmem:s17+$0x200];
	_ =	sdelay $0x1  }
0x1ca: {  	v26 =	vor.u32 v0, v25  }
0x1cb: {  	v27 =	vbroadcast v10, $0xC;
	_ =	sdelay $0x1  }
0x1cc: {  	v13 =	vmul.f32 v13, v27;
	_ =	sdelay $0x1  }
0x1cd: {  	[tilespmem:v26+s12+$0x0] =	vst.idx.add.f32.msk $0xffff, v13  }
0x1ce: {  	v13 =	vld [tilespmem:s17+$0x210];
	_ =	sdelay $0x1  }
0x1cf: {  	v28 =	vadd.s32 v2, v25;
	_ =	sdelay $0x2  }
0x1d0: {  	v13 =	vmul.f32 v13, v27;
	_ =	sdelay $0x1  }
0x1d1: {  	[tilespmem:v28+s12+$0x0] =	vst.idx.add.f32.msk $0xffff, v13  }
0x1d2: {  	v13 =	vld [tilespmem:s17+$0x220];
	_ =	sdelay $0x1  }
0x1d3: {  	v29 =	vadd.s32 v3, v25;
	_ =	sdelay $0x2  }
0x1d4: {  	v13 =	vmul.f32 v13, v27;
	_ =	sdelay $0x1  }
0x1d5: {  	[tilespmem:v29+s12+$0x0] =	vst.idx.add.f32.msk $0xffff, v13  }
0x1d6: {  	v13 =	vld [tilespmem:s17+$0x230];
	_ =	sdelay $0x1  }
0x1d7: {  	v30 =	vadd.s32 v4, v25;
	_ =	sdelay $0x2  }
0x1d8: {  	v13 =	vmul.f32 v13, v27;
	_ =	sdelay $0x1  }
0x1d9: {  	[tilespmem:v30+s12+$0x0] =	vst.idx.add.f32.msk $0xffff, v13  }
0x1da: {  	v13 =	vld [tilespmem:s17+$0x240];
	_ =	sdelay $0x1  }
0x1db: {  	v31 =	vadd.s32 v5, v25;
	_ =	sdelay $0x2  }
0x1dc: {  	v13 =	vmul.f32 v13, v27;
	_ =	sdelay $0x1  }
0x1dd: {  	[tilespmem:v31+s12+$0x0] =	vst.idx.add.f32.msk $0xffff, v13  }
0x1de: {  	v13 =	vld [tilespmem:s17+$0x250];
	_ =	sdelay $0x1  }
0x1df: {  	v32 =	vadd.s32 v6, v25;
	_ =	sdelay $0x2  }
0x1e0: {  	v13 =	vmul.f32 v13, v27;
	_ =	sdelay $0x1  }
0x1e1: {  	[tilespmem:v32+s12+$0x0] =	vst.idx.add.f32.msk $0xffff, v13  }
0x1e2: {  	v13 =	vld [tilespmem:s17+$0x260];
	_ =	sdelay $0x1  }
0x1e3: {  	v33 =	vadd.s32 v7, v25;
	_ =	sdelay $0x2  }
0x1e4: {  	v13 =	vmul.f32 v13, v27;
	_ =	sdelay $0x1  }
0x1e5: {  	[tilespmem:v33+s12+$0x0] =	vst.idx.add.f32.msk $0xffff, v13  }
0x1e6: {  	v13 =	vld [tilespmem:s17+$0x270];
	_ =	sdelay $0x1  }
0x1e7: {  	v34 =	vadd.s32 v8, v25  }
0x1e8: {  	v12 =	vadd.s32 v9, v25;
	_ =	sdelay $0x1  }
0x1e9: {  	v13 =	vmul.f32 v13, v27;
	_ =	sdelay $0x1  }
0x1ea: {  	[tilespmem:v34+s12+$0x0] =	vst.idx.add.f32.msk $0xffff, v13  }
0x1eb: {  	[tilespmem:v12+s12+$0x0] =	vst.idx.add.f32.msk $0xffff, v27  }
0x1ec: {  	v35 =	vbroadcast v11, $0xD;
	v13 =	vld [tilespmem:s17+$0x280];
	_ =	sdelay $0x1  }
0x1ed: {  	v36 =	vor.u32 v0, v35  }
0x1ee: {  	v37 =	vbroadcast v10, $0xD;
	_ =	sdelay $0x1  }
0x1ef: {  	v13 =	vmul.f32 v13, v37;
	_ =	sdelay $0x1  }
0x1f0: {  	[tilespmem:v36+s12+$0x0] =	vst.idx.add.f32.msk $0xffff, v13  }
0x1f1: {  	v13 =	vld [tilespmem:s17+$0x290];
	_ =	sdelay $0x1  }
0x1f2: {  	v38 =	vadd.s32 v2, v35;
	_ =	sdelay $0x2  }
0x1f3: {  	v13 =	vmul.f32 v13, v37;
	_ =	sdelay $0x1  }
0x1f4: {  	[tilespmem:v38+s12+$0x0] =	vst.idx.add.f32.msk $0xffff, v13  }
0x1f5: {  	v13 =	vld [tilespmem:s17+$0x2A0];
	_ =	sdelay $0x1  }
0x1f6: {  	v39 =	vadd.s32 v3, v35;
	_ =	sdelay $0x2  }
0x1f7: {  	v13 =	vmul.f32 v13, v37;
	_ =	sdelay $0x1  }
0x1f8: {  	[tilespmem:v39+s12+$0x0] =	vst.idx.add.f32.msk $0xffff, v13  }
0x1f9: {  	v13 =	vld [tilespmem:s17+$0x2B0];
	_ =	sdelay $0x1  }
0x1fa: {  	v40 =	vadd.s32 v4, v35;
	_ =	sdelay $0x2  }
0x1fb: {  	v13 =	vmul.f32 v13, v37;
	_ =	sdelay $0x1  }
0x1fc: {  	[tilespmem:v40+s12+$0x0] =	vst.idx.add.f32.msk $0xffff, v13  }
0x1fd: {  	v13 =	vld [tilespmem:s17+$0x2C0];
	_ =	sdelay $0x1  }
0x1fe: {  	v41 =	vadd.s32 v5, v35;
	_ =	sdelay $0x2  }
0x1ff: {  	v13 =	vmul.f32 v13, v37;
	_ =	sdelay $0x1  }
0x200: {  	[tilespmem:v41+s12+$0x0] =	vst.idx.add.f32.msk $0xffff, v13  }
0x201: {  	v13 =	vld [tilespmem:s17+$0x2D0];
	_ =	sdelay $0x1  }
0x202: {  	v42 =	vadd.s32 v6, v35;
	_ =	sdelay $0x2  }
0x203: {  	v13 =	vmul.f32 v13, v37;
	_ =	sdelay $0x1  }
0x204: {  	[tilespmem:v42+s12+$0x0] =	vst.idx.add.f32.msk $0xffff, v13  }
0x205: {  	v13 =	vld [tilespmem:s17+$0x2E0];
	_ =	sdelay $0x1  }
0x206: {  	v43 =	vadd.s32 v7, v35;
	_ =	sdelay $0x2  }
0x207: {  	v13 =	vmul.f32 v13, v37;
	_ =	sdelay $0x1  }
0x208: {  	[tilespmem:v43+s12+$0x0] =	vst.idx.add.f32.msk $0xffff, v13  }
0x209: {  	v13 =	vld [tilespmem:s17+$0x2F0];
	_ =	sdelay $0x1  }
0x20a: {  	v44 =	vadd.s32 v8, v35  }
0x20b: {  	v12 =	vadd.s32 v9, v35;
	_ =	sdelay $0x1  }
0x20c: {  	v13 =	vmul.f32 v13, v37;
	_ =	sdelay $0x1  }
0x20d: {  	[tilespmem:v44+s12+$0x0] =	vst.idx.add.f32.msk $0xffff, v13  }
0x20e: {  	[tilespmem:v12+s12+$0x0] =	vst.idx.add.f32.msk $0xffff, v37  }
0x20f: {  	v45 =	vbroadcast v11, $0xE;
	v13 =	vld [tilespmem:s17+$0x300];
	_ =	sdelay $0x1  }
0x210: {  	v46 =	vor.u32 v0, v45  }
0x211: {  	v47 =	vbroadcast v10, $0xE;
	_ =	sdelay $0x1  }
0x212: {  	v13 =	vmul.f32 v13, v47;
	_ =	sdelay $0x1  }
0x213: {  	[tilespmem:v46+s12+$0x0] =	vst.idx.add.f32.msk $0xffff, v13  }
0x214: {  	v13 =	vld [tilespmem:s17+$0x310];
	_ =	sdelay $0x1  }
0x215: {  	v48 =	vadd.s32 v2, v45;
	_ =	sdelay $0x2  }
0x216: {  	v13 =	vmul.f32 v13, v47;
	_ =	sdelay $0x1  }
0x217: {  	[tilespmem:v48+s12+$0x0] =	vst.idx.add.f32.msk $0xffff, v13  }
0x218: {  	v13 =	vld [tilespmem:s17+$0x320];
	_ =	sdelay $0x1  }
0x219: {  	v49 =	vadd.s32 v3, v45;
	_ =	sdelay $0x2  }
0x21a: {  	v13 =	vmul.f32 v13, v47;
	_ =	sdelay $0x1  }
0x21b: {  	[tilespmem:v49+s12+$0x0] =	vst.idx.add.f32.msk $0xffff, v13  }
0x21c: {  	v13 =	vld [tilespmem:s17+$0x330];
	_ =	sdelay $0x1  }
0x21d: {  	v50 =	vadd.s32 v4, v45;
	_ =	sdelay $0x2  }
0x21e: {  	v13 =	vmul.f32 v13, v47;
	_ =	sdelay $0x1  }
0x21f: {  	[tilespmem:v50+s12+$0x0] =	vst.idx.add.f32.msk $0xffff, v13  }
0x220: {  	v13 =	vld [tilespmem:s17+$0x340];
	_ =	sdelay $0x1  }
0x221: {  	v51 =	vadd.s32 v5, v45;
	_ =	sdelay $0x2  }
0x222: {  	v13 =	vmul.f32 v13, v47;
	_ =	sdelay $0x1  }
0x223: {  	[tilespmem:v51+s12+$0x0] =	vst.idx.add.f32.msk $0xffff, v13  }
0x224: {  	v13 =	vld [tilespmem:s17+$0x350];
	_ =	sdelay $0x1  }
0x225: {  	v52 =	vadd.s32 v6, v45;
	_ =	sdelay $0x2  }
0x226: {  	v13 =	vmul.f32 v13, v47;
	_ =	sdelay $0x1  }
0x227: {  	[tilespmem:v52+s12+$0x0] =	vst.idx.add.f32.msk $0xffff, v13  }
0x228: {  	v13 =	vld [tilespmem:s17+$0x360];
	_ =	sdelay $0x1  }
0x229: {  	v53 =	vadd.s32 v7, v45  }
0x22a: {  	(v2sf) =	vpush v11, $0xF;
	_ =	sdelay $0x1  }
0x22b: {  	v11 =	vmul.f32 v13, v47;
	_ =	sdelay $0x1  }
0x22c: {  	[tilespmem:v53+s12+$0x0] =	vst.idx.add.f32.msk $0xffff, v11  }
0x22d: {  	v11 =	vld [tilespmem:s17+$0x370];
	_ =	sdelay $0x1  }
0x22e: {  	v54 =	vadd.s32 v8, v45  }
0x22f: {  	v12 =	vadd.s32 v9, v45;
	_ =	sdelay $0x1  }
0x230: {  	v11 =	vmul.f32 v11, v47;
	_ =	sdelay $0x1  }
0x231: {  	[tilespmem:v54+s12+$0x0] =	vst.idx.add.f32.msk $0xffff, v11  }
0x232: {  	[tilespmem:v12+s12+$0x0] =	vst.idx.add.f32.msk $0xffff, v47  }
0x233: {  	v11 =	vld [tilespmem:s17+$0x380]  }
0x234: {  	s31 =	spop (v2sf)  }
0x235: {  	v55 =	vor.u32 s31, v0  }
0x236: {  	v10 =	vbroadcast v10, $0xF;
	_ =	sdelay $0x1  }
0x237: {  	v11 =	vmul.f32 v11, v10;
	_ =	sdelay $0x1  }
0x238: {  	[tilespmem:v55+s12+$0x0] =	vst.idx.add.f32.msk $0xffff, v11  }
0x239: {  	v11 =	vld [tilespmem:s17+$0x390];
	_ =	sdelay $0x1  }
0x23a: {  	v56 =	vadd.s32 s31, v2;
	_ =	sdelay $0x2  }
0x23b: {  	v11 =	vmul.f32 v11, v10;
	_ =	sdelay $0x1  }
0x23c: {  	[tilespmem:v56+s12+$0x0] =	vst.idx.add.f32.msk $0xffff, v11  }
0x23d: {  	v11 =	vld [tilespmem:s17+$0x3A0];
	_ =	sdelay $0x1  }
0x23e: {  	v57 =	vadd.s32 s31, v3;
	_ =	sdelay $0x2  }
0x23f: {  	v11 =	vmul.f32 v11, v10;
	_ =	sdelay $0x1  }
0x240: {  	[tilespmem:v57+s12+$0x0] =	vst.idx.add.f32.msk $0xffff, v11  }
0x241: {  	v11 =	vld [tilespmem:s17+$0x3B0];
	_ =	sdelay $0x1  }
0x242: {  	v58 =	vadd.s32 s31, v4;
	_ =	sdelay $0x2  }
0x243: {  	v11 =	vmul.f32 v11, v10;
	_ =	sdelay $0x1  }
0x244: {  	[tilespmem:v58+s12+$0x0] =	vst.idx.add.f32.msk $0xffff, v11  }
0x245: {  	v11 =	vld [tilespmem:s17+$0x3C0];
	_ =	sdelay $0x1  }
0x246: {  	v59 =	vadd.s32 s31, v5;
	_ =	sdelay $0x2  }
0x247: {  	v11 =	vmul.f32 v11, v10;
	_ =	sdelay $0x1  }
0x248: {  	[tilespmem:v59+s12+$0x0] =	vst.idx.add.f32.msk $0xffff, v11  }
0x249: {  	v11 =	vld [tilespmem:s17+$0x3D0];
	_ =	sdelay $0x1  }
0x24a: {  	v60 =	vadd.s32 s31, v6;
	_ =	sdelay $0x2  }
0x24b: {  	v11 =	vmul.f32 v11, v10;
	_ =	sdelay $0x1  }
0x24c: {  	[tilespmem:v60+s12+$0x0] =	vst.idx.add.f32.msk $0xffff, v11  }
0x24d: {  	v11 =	vld [tilespmem:s17+$0x3E0];
	_ =	sdelay $0x1  }
0x24e: {  	v61 =	vadd.s32 s31, v7;
	_ =	sdelay $0x2  }
0x24f: {  	v11 =	vmul.f32 v11, v10;
	_ =	sdelay $0x1  }
0x250: {  	[tilespmem:v61+s12+$0x0] =	vst.idx.add.f32.msk $0xffff, v11  }
0x251: {  	v11 =	vld [tilespmem:s17+$0x3F0];
	_ =	sdelay $0x1  }
0x252: {  	v62 =	vadd.s32 s31, v8  }
0x253: {  	p0 =	sne.s32 s18, $0x3C0;
	v63 =	vadd.s32 s31, v9  }
.Ltmp1:
0x254: {  	_ = 	snop;
	(pc) =	sbr.rel @p0 .LBB2_5-.Ltmp1, $3  }
0x255: {  	v11 =	vmul.f32 v11, v10;
	_ =	sdelay $0x1  }
0x256: {  	[tilespmem:v62+s12+$0x0] =	vst.idx.add.f32.msk $0xffff, v11  }
0x257: {  	s18 =	sadd.s32 $0x40, s18;
	s17 =	sadd.s32 $0x800, s17;
	[tilespmem:v63+s12+$0x0] =	vst.idx.add.f32.msk $0xffff, v10  }
0x258: {  	s16 =	sadd.s32 $0x1, s16  }
0x259: {  	p0 =	sne.s32 s16, $0x10  }
.Ltmp2:
0x25a: {  	_ = 	snop;
	(pc) =	sbr.rel @p0 .LBB2_4-.Ltmp2, $1  }
0x25b: {  	_ =	sdelay $0x3  }
0x25c: {  	s3 =	sadd.s32 $0x1, s3  }
0x25d: {  	p0 =	sne.s32 s3, s8  }
.Ltmp3:
0x25e: {  	_ = 	snop;
	(pc) =	sbr.rel @p0 .LBB2_1-.Ltmp3, $4  }
0x25f: {  	[hbm4b:s7+s13] =	stream.strided.scatter [tilespmem:s12], [sflag:$0x1], $0x2400, s14, s13, $0x38;
	[tilespmem:$0xA600] =	vst v63  }
0x260: {  	_ =	swait.ge [sflag:s9], $0x2400  }
0x261: {  	[sflag:s9] =	ssyncset.done $0x0  }
0x262: {  	[sflag:s9] =	ssyncadd.s32 $0xFFFFDC00  }
0x263: {  	_ =	sfence.sel $0x180000  }
0x264: {  	[bflag:$0x0] =	sbarrier.arrive $0xFFFF  }
0x265: {  	p0 =	sne.s32 s0, $0x0;
	_ =	strace $0x90000047  }
0x266: {  	s0 =	sadd.s32 @!p0 $0x100000, s1;
	[bflag:$0x2] =	sbarrier.arrive $0xFFFF  }
0x267: {  	[sflag:s0] =	ssyncadd.tile.s32 @!p0 $0x1;
	_ =	shalt  }
.Lfunc_end2:
_tile_overlayer_lowered:
.L_overlay_start_2:
0x268: {  	(tag) =	ssettag $0x2  }
0x269: {  	s0 =	rddreg [dreg:$0x0];
	s2 =	stileid.u32  }
0x26a: {  	s1 =	rddreg [dreg:$0x1];
	p0 =	sne.s32 s2, $0x0  }
0x26b: {  	s3 =	rddreg [dreg:$0x2];
	[bflag:$0x3] =	sbarrier.arrive $0xFFFF;
	s2 =	simm.s32 @!p0 $0x1C01  }
0x26c: {  	[timem:s3], [sflag:s2] =	dma.local @!p0 [hbm:s0], s1  }
0x26d: {  	s0 =	simm.s32 @!p0 $0x1  }
0x26e: {  	_ =	swait.ge @!p0 [sflag:s0], s1  }
0x26f: {  	s1 =	ssub.s32 @!p0 $0x0, s1;
	[sflag:s0] =	ssyncset.done @!p0 $0x0  }
0x270: {  	[sflag:s0] =	ssyncadd.s32 @!p0 s1  }
0x271: {  	[bflag:$0x3] =	sbarrier.arrive $0xFFFF  }
0x272: {  	_ =	shalt  }

</sc_bundles>
